<compile_context>
chip_gen: v7x
topology: tpu7x:2x2x1
jax: 0.10.2.dev20260603
libtpu: 0.0.44.dev20260713+nightly
codegen_flags: <defaults>
</compile_context>

<pallas_src>
import functools
import math

import jax
import jax.numpy as jnp
from jax import lax
from jax.experimental import pallas as pl
from jax.experimental.pallas import tpu as pltpu
from jax.experimental.pallas import tpu_sc as plsc

VOCAB_SIZE = 100000
D_MODEL = 1024
SCALE = math.sqrt(D_MODEL)

NC = 2
NS = 16
NW = NC * NS
LANES = 16

B_TOTAL = 4 * 4096
B_PER_W = B_TOTAL // NW
CHUNK = 8
N_CHUNKS = B_PER_W // CHUNK
NBUF = 8
N_WAVES = N_CHUNKS // NBUF
SLICES_PER_ROW = D_MODEL // LANES


def _scale_chunk(buf):
    @plsc.parallel_loop(0, CHUNK)
    def scale_row(r):
        @plsc.parallel_loop(0, SLICES_PER_ROW, unroll=8)
        def scale_slice(c):
            sl = pl.ds(c * LANES, LANES)
            buf[r, sl] = buf[r, sl] * SCALE


def _emb_kernel(x_hbm, table_hbm, out_hbm, idx_v, rows_v, in_sems, out_sems):
    wid = lax.axis_index("c") * NS + lax.axis_index("s")
    base = wid * B_PER_W

    pltpu.sync_copy(x_hbm.at[wid], idx_v)

    dummy_hbm = out_hbm.at[pl.ds(0, CHUNK)]

    def start_gather(g, b):
        pltpu.async_copy(table_hbm.at[idx_v.at[g]], rows_v.at[b],
                         in_sems.at[b])

    def wait_gather(b):
        pltpu.make_async_copy(dummy_hbm, rows_v.at[b], in_sems.at[b]).wait()

    def start_out(g, b):
        pltpu.async_copy(rows_v.at[b],
                         out_hbm.at[pl.ds(base + g * CHUNK, CHUNK)],
                         out_sems.at[b])

    def wait_out(b):
        pltpu.make_async_copy(rows_v.at[b], dummy_hbm, out_sems.at[b]).wait()

    for b in range(NBUF):
        start_gather(b, b)

    def wave(T, carry):
        t = T * NBUF
        for b in range(NBUF):
            wait_gather(b)
            _scale_chunk(rows_v.at[b])
            start_out(t + b, b)

            if b >= 1:
                @pl.when(T < N_WAVES - 1)
                def _():
                    wait_out(b - 1)
                    start_gather(t + NBUF + b - 1, b - 1)

        @pl.when(T < N_WAVES - 1)
        def _():
            wait_out(NBUF - 1)
            start_gather(t + 2 * NBUF - 1, NBUF - 1)

        return carry

    lax.fori_loop(0, N_WAVES, wave, None)

    for b in range(NBUF):
        wait_out(b)


@jax.jit
def _emb(x_flat, table):
    mesh = plsc.VectorSubcoreMesh(core_axis_name="c", subcore_axis_name="s")
    f = functools.partial(
        pl.kernel,
        mesh=mesh,
        out_type=jax.ShapeDtypeStruct((B_TOTAL, D_MODEL), jnp.float32),
        scratch_types=[
            pltpu.VMEM((N_CHUNKS, CHUNK), jnp.int32),
            pltpu.VMEM((NBUF, CHUNK, D_MODEL), jnp.float32),
            pltpu.SemaphoreType.DMA((NBUF,)),
            pltpu.SemaphoreType.DMA((NBUF,)),
        ],
    )(_emb_kernel)
    return f(x_flat.reshape(NW, N_CHUNKS, CHUNK), table)


def kernel(x, table):
    out = _emb(x.reshape(-1).astype(jnp.int32), table)
    return out.reshape(x.shape[0], x.shape[1], D_MODEL)

# --- scband reference (transcript-rebuilt; emitter-appended) ---
"""Pipeline reference for scband-token-embedding-21053929685379 (READ-ONLY COPY).

The authoritative reference and input builder live on the scoring server;
editing this copy changes nothing except your own understanding.
"""

import jax, jax.numpy as jnp
import numpy as np
import math

VOCAB_SIZE = 100000
D_MODEL = 1024

def setup_inputs(seed: int = 0) -> dict:
    key = jax.random.key(seed)
    k1, k2 = jax.random.split(key)
    x = jax.random.randint(k1, (4, 4096), 0, VOCAB_SIZE, dtype=jnp.int64 if jax.config.jax_enable_x64 else jnp.int32)
    table = jax.random.normal(k2, (VOCAB_SIZE, D_MODEL), dtype=jnp.float32)
    return {"x": x, "table": table}

def reference(x, table):
    # nn.Embedding lookup followed by sqrt(d_model) scaling
    emb = jnp.take(table, x, axis=0)
    return emb * math.sqrt(D_MODEL)

if __name__ == "__main__":
    import jax
    _d = setup_inputs()
    print(jax.jit(kernel)(*tuple(_d.values())))

</pallas_src>

<mosaic_0001>
#map = affine_map<(d0, d1) -> (0, 0, 0)>
#map1 = affine_map<(d0, d1) -> (0, 0)>
module attributes {stable_mosaic.version = 14 : i64} {
  func.func @_emb_kernel(%arg0: i32, %arg1: i32, %arg2: memref<32x64x8xi32, #tpu.memory_space<hbm>>, %arg3: memref<100000x1024xf32, #tpu.memory_space<hbm>>, %arg4: memref<16384x1024xf32, #tpu.memory_space<hbm>>, %arg5: memref<64x8xi32, #tpu.memory_space<vmem>>, %arg6: memref<8x8x1024xf32, #tpu.memory_space<vmem>>, %arg7: memref<8x!tpu.dma_semaphore, #tpu.memory_space<semaphore_mem>>, %arg8: memref<8x!tpu.dma_semaphore, #tpu.memory_space<semaphore_mem>>) attributes {dimension_semantics = [#tpu.dimension_semantics<core_parallel>, #tpu.dimension_semantics<subcore_parallel>], iteration_bounds = array<i64: 2, 16>, scalar_prefetch = 0 : i64, scratch_operands = 4 : i64, tpu.core_type = #tpu.core_type<sc_vector_subcore>, window_params = [{transform_indices = #map}, {transform_indices = #map1}, {transform_indices = #map1}]} {
    %mul3A = arith.constant 16 : i32
    %mul3A_0 = arith.muli %arg0, %mul3A : i32
    %add3A = arith.addi %mul3A_0, %arg1 : i32
    %mul3A_1 = arith.constant 512 : i32
    %mul3A_2 = arith.muli %add3A, %mul3A_1 : i32
    "tpu.region"() ({
      %run_scoped3A = tpu.sem_alloc : memref<!tpu.dma_semaphore, #tpu.memory_space<semaphore_mem>>
      %dma_start3A_269 = arith.constant 0 : i32
      %dma_start3A_270 = arith.constant 0 : i32
      %dma_start3A_271 = tpu.memref_slice %arg2[%add3A, %dma_start3A_269, %dma_start3A_270] : memref<32x64x8xi32, #tpu.memory_space<hbm>> -> memref<1x64x8xi32, #tpu.memory_space<hbm>>
      %dma_start3A_272 = tpu.memref_squeeze %dma_start3A_271 : memref<1x64x8xi32, #tpu.memory_space<hbm>> -> memref<64x8xi32, #tpu.memory_space<hbm>>
      %dma_start3A_273 = arith.constant 0 : i32
      %dma_start3A_274 = arith.constant 0 : i32
      %dma_start3A_275 = tpu.memref_slice %arg2[%add3A, %dma_start3A_273, %dma_start3A_274] : memref<32x64x8xi32, #tpu.memory_space<hbm>> -> memref<1x64x8xi32, #tpu.memory_space<hbm>>
      %dma_start3A_276 = tpu.memref_squeeze %dma_start3A_275 : memref<1x64x8xi32, #tpu.memory_space<hbm>> -> memref<64x8xi32, #tpu.memory_space<hbm>>
      tpu.enqueue_dma source(%dma_start3A_276 : memref<64x8xi32, #tpu.memory_space<hbm>>) target(%arg5 : memref<64x8xi32, #tpu.memory_space<vmem>>) target_semaphore(%run_scoped3A : memref<!tpu.dma_semaphore, #tpu.memory_space<semaphore_mem>>)
      %dma_wait3A_277 = arith.constant 0 : i32
      %dma_wait3A_278 = arith.constant 0 : i32
      %dma_wait3A_279 = tpu.memref_slice %arg2[%add3A, %dma_wait3A_277, %dma_wait3A_278] : memref<32x64x8xi32, #tpu.memory_space<hbm>> -> memref<1x64x8xi32, #tpu.memory_space<hbm>>
      %dma_wait3A_280 = tpu.memref_squeeze %dma_wait3A_279 : memref<1x64x8xi32, #tpu.memory_space<hbm>> -> memref<64x8xi32, #tpu.memory_space<hbm>>
      %dma_wait3A_281 = arith.constant 0 : i32
      %dma_wait3A_282 = arith.constant 0 : i32
      %dma_wait3A_283 = tpu.memref_slice %arg2[%add3A, %dma_wait3A_281, %dma_wait3A_282] : memref<32x64x8xi32, #tpu.memory_space<hbm>> -> memref<1x64x8xi32, #tpu.memory_space<hbm>>
      %dma_wait3A_284 = tpu.memref_squeeze %dma_wait3A_283 : memref<1x64x8xi32, #tpu.memory_space<hbm>> -> memref<64x8xi32, #tpu.memory_space<hbm>>
      tpu.wait_dma2 semaphore(%run_scoped3A : memref<!tpu.dma_semaphore, #tpu.memory_space<semaphore_mem>>) src(%dma_wait3A_284 : memref<64x8xi32, #tpu.memory_space<hbm>>) dst(%arg5 : memref<64x8xi32, #tpu.memory_space<vmem>>)
      tpu.yield
    }) : () -> ()
    %dma_start3A = arith.constant 0 : i32
    %dma_start3A_3 = arith.constant 0 : i32
    %dma_start3A_4 = arith.constant 0 : i32
    %dma_start3A_5 = arith.constant 0 : i32
    %dma_start3A_6 = arith.constant 0 : i32
    %dma_start3A_7 = tpu.memref_slice %arg6[%dma_start3A_3, %dma_start3A_5, %dma_start3A_6] : memref<8x8x1024xf32, #tpu.memory_space<vmem>> -> memref<1x8x1024xf32, #tpu.memory_space<vmem>>
    %dma_start3A_8 = tpu.memref_squeeze %dma_start3A_7 : memref<1x8x1024xf32, #tpu.memory_space<vmem>> -> memref<8x1024xf32, #tpu.memory_space<vmem>>
    %dma_start3A_9 = arith.constant 0 : i32
    %dma_start3A_10 = tpu.memref_slice %arg5[%dma_start3A, %dma_start3A_9] : memref<64x8xi32, #tpu.memory_space<vmem>> -> memref<1x8xi32, #tpu.memory_space<vmem>>
    %dma_start3A_11 = tpu.memref_squeeze %dma_start3A_10 : memref<1x8xi32, #tpu.memory_space<vmem>> -> memref<8xi32, #tpu.memory_space<vmem>>
    %dma_start3A_12 = arith.constant 0 : i32
    %dma_start3A_13 = arith.constant 0 : i32
    %dma_start3A_14 = tpu.memref_slice %arg3[%dma_start3A_12, %dma_start3A_13] : memref<100000x1024xf32, #tpu.memory_space<hbm>> -> memref<100000x1024xf32, #tpu.memory_space<hbm>>
    %dma_start3A_15 = tpu.memref_slice %arg7[%dma_start3A_4] : memref<8x!tpu.dma_semaphore, #tpu.memory_space<semaphore_mem>> -> memref<1x!tpu.dma_semaphore, #tpu.memory_space<semaphore_mem>>
    %dma_start3A_16 = tpu.memref_squeeze %dma_start3A_15 : memref<1x!tpu.dma_semaphore, #tpu.memory_space<semaphore_mem>> -> memref<!tpu.dma_semaphore, #tpu.memory_space<semaphore_mem>>
    tpu.enqueue_indirect_dma source(%dma_start3A_14 : memref<100000x1024xf32, #tpu.memory_space<hbm>>) target(%dma_start3A_8 : memref<8x1024xf32, #tpu.memory_space<vmem>>) offsets(%dma_start3A_11 : memref<8xi32, #tpu.memory_space<vmem>>) semaphore(%dma_start3A_16 : memref<!tpu.dma_semaphore, #tpu.memory_space<semaphore_mem>>)
    %dma_start3A_17 = arith.constant 1 : i32
    %dma_start3A_18 = arith.constant 1 : i32
    %dma_start3A_19 = arith.constant 1 : i32
    %dma_start3A_20 = arith.constant 0 : i32
    %dma_start3A_21 = arith.constant 0 : i32
    %dma_start3A_22 = tpu.memref_slice %arg6[%dma_start3A_18, %dma_start3A_20, %dma_start3A_21] : memref<8x8x1024xf32, #tpu.memory_space<vmem>> -> memref<1x8x1024xf32, #tpu.memory_space<vmem>>
    %dma_start3A_23 = tpu.memref_squeeze %dma_start3A_22 : memref<1x8x1024xf32, #tpu.memory_space<vmem>> -> memref<8x1024xf32, #tpu.memory_space<vmem>>
    %dma_start3A_24 = arith.constant 0 : i32
    %dma_start3A_25 = tpu.memref_slice %arg5[%dma_start3A_17, %dma_start3A_24] : memref<64x8xi32, #tpu.memory_space<vmem>> -> memref<1x8xi32, #tpu.memory_space<vmem>>
    %dma_start3A_26 = tpu.memref_squeeze %dma_start3A_25 : memref<1x8xi32, #tpu.memory_space<vmem>> -> memref<8xi32, #tpu.memory_space<vmem>>
    %dma_start3A_27 = arith.constant 0 : i32
    %dma_start3A_28 = arith.constant 0 : i32
    %dma_start3A_29 = tpu.memref_slice %arg3[%dma_start3A_27, %dma_start3A_28] : memref<100000x1024xf32, #tpu.memory_space<hbm>> -> memref<100000x1024xf32, #tpu.memory_space<hbm>>
    %dma_start3A_30 = tpu.memref_slice %arg7[%dma_start3A_19] : memref<8x!tpu.dma_semaphore, #tpu.memory_space<semaphore_mem>> -> memref<1x!tpu.dma_semaphore, #tpu.memory_space<semaphore_mem>>
    %dma_start3A_31 = tpu.memref_squeeze %dma_start3A_30 : memref<1x!tpu.dma_semaphore, #tpu.memory_space<semaphore_mem>> -> memref<!tpu.dma_semaphore, #tpu.memory_space<semaphore_mem>>
    tpu.enqueue_indirect_dma source(%dma_start3A_29 : memref<100000x1024xf32, #tpu.memory_space<hbm>>) target(%dma_start3A_23 : memref<8x1024xf32, #tpu.memory_space<vmem>>) offsets(%dma_start3A_26 : memref<8xi32, #tpu.memory_space<vmem>>) semaphore(%dma_start3A_31 : memref<!tpu.dma_semaphore, #tpu.memory_space<semaphore_mem>>)
    %dma_start3A_32 = arith.constant 2 : i32
    %dma_start3A_33 = arith.constant 2 : i32
    %dma_start3A_34 = arith.constant 2 : i32
    %dma_start3A_35 = arith.constant 0 : i32
    %dma_start3A_36 = arith.constant 0 : i32
    %dma_start3A_37 = tpu.memref_slice %arg6[%dma_start3A_33, %dma_start3A_35, %dma_start3A_36] : memref<8x8x1024xf32, #tpu.memory_space<vmem>> -> memref<1x8x1024xf32, #tpu.memory_space<vmem>>
    %dma_start3A_38 = tpu.memref_squeeze %dma_start3A_37 : memref<1x8x1024xf32, #tpu.memory_space<vmem>> -> memref<8x1024xf32, #tpu.memory_space<vmem>>
    %dma_start3A_39 = arith.constant 0 : i32
    %dma_start3A_40 = tpu.memref_slice %arg5[%dma_start3A_32, %dma_start3A_39] : memref<64x8xi32, #tpu.memory_space<vmem>> -> memref<1x8xi32, #tpu.memory_space<vmem>>
    %dma_start3A_41 = tpu.memref_squeeze %dma_start3A_40 : memref<1x8xi32, #tpu.memory_space<vmem>> -> memref<8xi32, #tpu.memory_space<vmem>>
    %dma_start3A_42 = arith.constant 0 : i32
    %dma_start3A_43 = arith.constant 0 : i32
    %dma_start3A_44 = tpu.memref_slice %arg3[%dma_start3A_42, %dma_start3A_43] : memref<100000x1024xf32, #tpu.memory_space<hbm>> -> memref<100000x1024xf32, #tpu.memory_space<hbm>>
    %dma_start3A_45 = tpu.memref_slice %arg7[%dma_start3A_34] : memref<8x!tpu.dma_semaphore, #tpu.memory_space<semaphore_mem>> -> memref<1x!tpu.dma_semaphore, #tpu.memory_space<semaphore_mem>>
    %dma_start3A_46 = tpu.memref_squeeze %dma_start3A_45 : memref<1x!tpu.dma_semaphore, #tpu.memory_space<semaphore_mem>> -> memref<!tpu.dma_semaphore, #tpu.memory_space<semaphore_mem>>
    tpu.enqueue_indirect_dma source(%dma_start3A_44 : memref<100000x1024xf32, #tpu.memory_space<hbm>>) target(%dma_start3A_38 : memref<8x1024xf32, #tpu.memory_space<vmem>>) offsets(%dma_start3A_41 : memref<8xi32, #tpu.memory_space<vmem>>) semaphore(%dma_start3A_46 : memref<!tpu.dma_semaphore, #tpu.memory_space<semaphore_mem>>)
    %dma_start3A_47 = arith.constant 3 : i32
    %dma_start3A_48 = arith.constant 3 : i32
    %dma_start3A_49 = arith.constant 3 : i32
    %dma_start3A_50 = arith.constant 0 : i32
    %dma_start3A_51 = arith.constant 0 : i32
    %dma_start3A_52 = tpu.memref_slice %arg6[%dma_start3A_48, %dma_start3A_50, %dma_start3A_51] : memref<8x8x1024xf32, #tpu.memory_space<vmem>> -> memref<1x8x1024xf32, #tpu.memory_space<vmem>>
    %dma_start3A_53 = tpu.memref_squeeze %dma_start3A_52 : memref<1x8x1024xf32, #tpu.memory_space<vmem>> -> memref<8x1024xf32, #tpu.memory_space<vmem>>
    %dma_start3A_54 = arith.constant 0 : i32
    %dma_start3A_55 = tpu.memref_slice %arg5[%dma_start3A_47, %dma_start3A_54] : memref<64x8xi32, #tpu.memory_space<vmem>> -> memref<1x8xi32, #tpu.memory_space<vmem>>
    %dma_start3A_56 = tpu.memref_squeeze %dma_start3A_55 : memref<1x8xi32, #tpu.memory_space<vmem>> -> memref<8xi32, #tpu.memory_space<vmem>>
    %dma_start3A_57 = arith.constant 0 : i32
    %dma_start3A_58 = arith.constant 0 : i32
    %dma_start3A_59 = tpu.memref_slice %arg3[%dma_start3A_57, %dma_start3A_58] : memref<100000x1024xf32, #tpu.memory_space<hbm>> -> memref<100000x1024xf32, #tpu.memory_space<hbm>>
    %dma_start3A_60 = tpu.memref_slice %arg7[%dma_start3A_49] : memref<8x!tpu.dma_semaphore, #tpu.memory_space<semaphore_mem>> -> memref<1x!tpu.dma_semaphore, #tpu.memory_space<semaphore_mem>>
    %dma_start3A_61 = tpu.memref_squeeze %dma_start3A_60 : memref<1x!tpu.dma_semaphore, #tpu.memory_space<semaphore_mem>> -> memref<!tpu.dma_semaphore, #tpu.memory_space<semaphore_mem>>
    tpu.enqueue_indirect_dma source(%dma_start3A_59 : memref<100000x1024xf32, #tpu.memory_space<hbm>>) target(%dma_start3A_53 : memref<8x1024xf32, #tpu.memory_space<vmem>>) offsets(%dma_start3A_56 : memref<8xi32, #tpu.memory_space<vmem>>) semaphore(%dma_start3A_61 : memref<!tpu.dma_semaphore, #tpu.memory_space<semaphore_mem>>)
    %dma_start3A_62 = arith.constant 4 : i32
    %dma_start3A_63 = arith.constant 4 : i32
    %dma_start3A_64 = arith.constant 4 : i32
    %dma_start3A_65 = arith.constant 0 : i32
    %dma_start3A_66 = arith.constant 0 : i32
    %dma_start3A_67 = tpu.memref_slice %arg6[%dma_start3A_63, %dma_start3A_65, %dma_start3A_66] : memref<8x8x1024xf32, #tpu.memory_space<vmem>> -> memref<1x8x1024xf32, #tpu.memory_space<vmem>>
    %dma_start3A_68 = tpu.memref_squeeze %dma_start3A_67 : memref<1x8x1024xf32, #tpu.memory_space<vmem>> -> memref<8x1024xf32, #tpu.memory_space<vmem>>
    %dma_start3A_69 = arith.constant 0 : i32
    %dma_start3A_70 = tpu.memref_slice %arg5[%dma_start3A_62, %dma_start3A_69] : memref<64x8xi32, #tpu.memory_space<vmem>> -> memref<1x8xi32, #tpu.memory_space<vmem>>
    %dma_start3A_71 = tpu.memref_squeeze %dma_start3A_70 : memref<1x8xi32, #tpu.memory_space<vmem>> -> memref<8xi32, #tpu.memory_space<vmem>>
    %dma_start3A_72 = arith.constant 0 : i32
    %dma_start3A_73 = arith.constant 0 : i32
    %dma_start3A_74 = tpu.memref_slice %arg3[%dma_start3A_72, %dma_start3A_73] : memref<100000x1024xf32, #tpu.memory_space<hbm>> -> memref<100000x1024xf32, #tpu.memory_space<hbm>>
    %dma_start3A_75 = tpu.memref_slice %arg7[%dma_start3A_64] : memref<8x!tpu.dma_semaphore, #tpu.memory_space<semaphore_mem>> -> memref<1x!tpu.dma_semaphore, #tpu.memory_space<semaphore_mem>>
    %dma_start3A_76 = tpu.memref_squeeze %dma_start3A_75 : memref<1x!tpu.dma_semaphore, #tpu.memory_space<semaphore_mem>> -> memref<!tpu.dma_semaphore, #tpu.memory_space<semaphore_mem>>
    tpu.enqueue_indirect_dma source(%dma_start3A_74 : memref<100000x1024xf32, #tpu.memory_space<hbm>>) target(%dma_start3A_68 : memref<8x1024xf32, #tpu.memory_space<vmem>>) offsets(%dma_start3A_71 : memref<8xi32, #tpu.memory_space<vmem>>) semaphore(%dma_start3A_76 : memref<!tpu.dma_semaphore, #tpu.memory_space<semaphore_mem>>)
    %dma_start3A_77 = arith.constant 5 : i32
    %dma_start3A_78 = arith.constant 5 : i32
    %dma_start3A_79 = arith.constant 5 : i32
    %dma_start3A_80 = arith.constant 0 : i32
    %dma_start3A_81 = arith.constant 0 : i32
    %dma_start3A_82 = tpu.memref_slice %arg6[%dma_start3A_78, %dma_start3A_80, %dma_start3A_81] : memref<8x8x1024xf32, #tpu.memory_space<vmem>> -> memref<1x8x1024xf32, #tpu.memory_space<vmem>>
    %dma_start3A_83 = tpu.memref_squeeze %dma_start3A_82 : memref<1x8x1024xf32, #tpu.memory_space<vmem>> -> memref<8x1024xf32, #tpu.memory_space<vmem>>
    %dma_start3A_84 = arith.constant 0 : i32
    %dma_start3A_85 = tpu.memref_slice %arg5[%dma_start3A_77, %dma_start3A_84] : memref<64x8xi32, #tpu.memory_space<vmem>> -> memref<1x8xi32, #tpu.memory_space<vmem>>
    %dma_start3A_86 = tpu.memref_squeeze %dma_start3A_85 : memref<1x8xi32, #tpu.memory_space<vmem>> -> memref<8xi32, #tpu.memory_space<vmem>>
    %dma_start3A_87 = arith.constant 0 : i32
    %dma_start3A_88 = arith.constant 0 : i32
    %dma_start3A_89 = tpu.memref_slice %arg3[%dma_start3A_87, %dma_start3A_88] : memref<100000x1024xf32, #tpu.memory_space<hbm>> -> memref<100000x1024xf32, #tpu.memory_space<hbm>>
    %dma_start3A_90 = tpu.memref_slice %arg7[%dma_start3A_79] : memref<8x!tpu.dma_semaphore, #tpu.memory_space<semaphore_mem>> -> memref<1x!tpu.dma_semaphore, #tpu.memory_space<semaphore_mem>>
    %dma_start3A_91 = tpu.memref_squeeze %dma_start3A_90 : memref<1x!tpu.dma_semaphore, #tpu.memory_space<semaphore_mem>> -> memref<!tpu.dma_semaphore, #tpu.memory_space<semaphore_mem>>
    tpu.enqueue_indirect_dma source(%dma_start3A_89 : memref<100000x1024xf32, #tpu.memory_space<hbm>>) target(%dma_start3A_83 : memref<8x1024xf32, #tpu.memory_space<vmem>>) offsets(%dma_start3A_86 : memref<8xi32, #tpu.memory_space<vmem>>) semaphore(%dma_start3A_91 : memref<!tpu.dma_semaphore, #tpu.memory_space<semaphore_mem>>)
    %dma_start3A_92 = arith.constant 6 : i32
    %dma_start3A_93 = arith.constant 6 : i32
    %dma_start3A_94 = arith.constant 6 : i32
    %dma_start3A_95 = arith.constant 0 : i32
    %dma_start3A_96 = arith.constant 0 : i32
    %dma_start3A_97 = tpu.memref_slice %arg6[%dma_start3A_93, %dma_start3A_95, %dma_start3A_96] : memref<8x8x1024xf32, #tpu.memory_space<vmem>> -> memref<1x8x1024xf32, #tpu.memory_space<vmem>>
    %dma_start3A_98 = tpu.memref_squeeze %dma_start3A_97 : memref<1x8x1024xf32, #tpu.memory_space<vmem>> -> memref<8x1024xf32, #tpu.memory_space<vmem>>
    %dma_start3A_99 = arith.constant 0 : i32
    %dma_start3A_100 = tpu.memref_slice %arg5[%dma_start3A_92, %dma_start3A_99] : memref<64x8xi32, #tpu.memory_space<vmem>> -> memref<1x8xi32, #tpu.memory_space<vmem>>
    %dma_start3A_101 = tpu.memref_squeeze %dma_start3A_100 : memref<1x8xi32, #tpu.memory_space<vmem>> -> memref<8xi32, #tpu.memory_space<vmem>>
    %dma_start3A_102 = arith.constant 0 : i32
    %dma_start3A_103 = arith.constant 0 : i32
    %dma_start3A_104 = tpu.memref_slice %arg3[%dma_start3A_102, %dma_start3A_103] : memref<100000x1024xf32, #tpu.memory_space<hbm>> -> memref<100000x1024xf32, #tpu.memory_space<hbm>>
    %dma_start3A_105 = tpu.memref_slice %arg7[%dma_start3A_94] : memref<8x!tpu.dma_semaphore, #tpu.memory_space<semaphore_mem>> -> memref<1x!tpu.dma_semaphore, #tpu.memory_space<semaphore_mem>>
    %dma_start3A_106 = tpu.memref_squeeze %dma_start3A_105 : memref<1x!tpu.dma_semaphore, #tpu.memory_space<semaphore_mem>> -> memref<!tpu.dma_semaphore, #tpu.memory_space<semaphore_mem>>
    tpu.enqueue_indirect_dma source(%dma_start3A_104 : memref<100000x1024xf32, #tpu.memory_space<hbm>>) target(%dma_start3A_98 : memref<8x1024xf32, #tpu.memory_space<vmem>>) offsets(%dma_start3A_101 : memref<8xi32, #tpu.memory_space<vmem>>) semaphore(%dma_start3A_106 : memref<!tpu.dma_semaphore, #tpu.memory_space<semaphore_mem>>)
    %dma_start3A_107 = arith.constant 7 : i32
    %dma_start3A_108 = arith.constant 7 : i32
    %dma_start3A_109 = arith.constant 7 : i32
    %dma_start3A_110 = arith.constant 0 : i32
    %dma_start3A_111 = arith.constant 0 : i32
    %dma_start3A_112 = tpu.memref_slice %arg6[%dma_start3A_108, %dma_start3A_110, %dma_start3A_111] : memref<8x8x1024xf32, #tpu.memory_space<vmem>> -> memref<1x8x1024xf32, #tpu.memory_space<vmem>>
    %dma_start3A_113 = tpu.memref_squeeze %dma_start3A_112 : memref<1x8x1024xf32, #tpu.memory_space<vmem>> -> memref<8x1024xf32, #tpu.memory_space<vmem>>
    %dma_start3A_114 = arith.constant 0 : i32
    %dma_start3A_115 = tpu.memref_slice %arg5[%dma_start3A_107, %dma_start3A_114] : memref<64x8xi32, #tpu.memory_space<vmem>> -> memref<1x8xi32, #tpu.memory_space<vmem>>
    %dma_start3A_116 = tpu.memref_squeeze %dma_start3A_115 : memref<1x8xi32, #tpu.memory_space<vmem>> -> memref<8xi32, #tpu.memory_space<vmem>>
    %dma_start3A_117 = arith.constant 0 : i32
    %dma_start3A_118 = arith.constant 0 : i32
    %dma_start3A_119 = tpu.memref_slice %arg3[%dma_start3A_117, %dma_start3A_118] : memref<100000x1024xf32, #tpu.memory_space<hbm>> -> memref<100000x1024xf32, #tpu.memory_space<hbm>>
    %dma_start3A_120 = tpu.memref_slice %arg7[%dma_start3A_109] : memref<8x!tpu.dma_semaphore, #tpu.memory_space<semaphore_mem>> -> memref<1x!tpu.dma_semaphore, #tpu.memory_space<semaphore_mem>>
    %dma_start3A_121 = tpu.memref_squeeze %dma_start3A_120 : memref<1x!tpu.dma_semaphore, #tpu.memory_space<semaphore_mem>> -> memref<!tpu.dma_semaphore, #tpu.memory_space<semaphore_mem>>
    tpu.enqueue_indirect_dma source(%dma_start3A_119 : memref<100000x1024xf32, #tpu.memory_space<hbm>>) target(%dma_start3A_113 : memref<8x1024xf32, #tpu.memory_space<vmem>>) offsets(%dma_start3A_116 : memref<8xi32, #tpu.memory_space<vmem>>) semaphore(%dma_start3A_121 : memref<!tpu.dma_semaphore, #tpu.memory_space<semaphore_mem>>)
    %scan3A = arith.constant 0 : i32
    %scan3A_122 = arith.constant 8 : i32
    %scan3A_123 = arith.addi %scan3A, %scan3A_122 : i32
    %scan3A_124 = arith.constant 1 : i32
    scf.for %scan3A_269 = %scan3A to %scan3A_123 step %scan3A_124  : i32 {
      %mul3A_270 = arith.constant 8 : i32
      %mul3A_271 = arith.muli %scan3A_269, %mul3A_270 : i32
      %dma_wait3A_272 = arith.constant 0 : i32
      %dma_wait3A_273 = arith.constant 0 : i32
      %dma_wait3A_274 = arith.constant 0 : i32
      %dma_wait3A_275 = arith.constant 0 : i32
      %dma_wait3A_276 = tpu.memref_slice %arg6[%dma_wait3A_272, %dma_wait3A_274, %dma_wait3A_275] : memref<8x8x1024xf32, #tpu.memory_space<vmem>> -> memref<1x8x1024xf32, #tpu.memory_space<vmem>>
      %dma_wait3A_277 = tpu.memref_squeeze %dma_wait3A_276 : memref<1x8x1024xf32, #tpu.memory_space<vmem>> -> memref<8x1024xf32, #tpu.memory_space<vmem>>
      %dma_wait3A_278 = arith.constant 0 : i32
      %dma_wait3A_279 = arith.constant 0 : i32
      %dma_wait3A_280 = tpu.memref_slice %arg4[%dma_wait3A_278, %dma_wait3A_279] : memref<16384x1024xf32, #tpu.memory_space<hbm>> -> memref<8x1024xf32, #tpu.memory_space<hbm>>
      %dma_wait3A_281 = tpu.memref_slice %arg7[%dma_wait3A_273] : memref<8x!tpu.dma_semaphore, #tpu.memory_space<semaphore_mem>> -> memref<1x!tpu.dma_semaphore, #tpu.memory_space<semaphore_mem>>
      %dma_wait3A_282 = tpu.memref_squeeze %dma_wait3A_281 : memref<1x!tpu.dma_semaphore, #tpu.memory_space<semaphore_mem>> -> memref<!tpu.dma_semaphore, #tpu.memory_space<semaphore_mem>>
      %dma_wait3A_283 = arith.constant 0 : i32
      %dma_wait3A_284 = arith.constant 0 : i32
      %dma_wait3A_285 = tpu.memref_slice %arg6[%dma_wait3A_272, %dma_wait3A_283, %dma_wait3A_284] : memref<8x8x1024xf32, #tpu.memory_space<vmem>> -> memref<1x8x1024xf32, #tpu.memory_space<vmem>>
      %dma_wait3A_286 = tpu.memref_squeeze %dma_wait3A_285 : memref<1x8x1024xf32, #tpu.memory_space<vmem>> -> memref<8x1024xf32, #tpu.memory_space<vmem>>
      %dma_wait3A_287 = arith.constant 0 : i32
      %dma_wait3A_288 = arith.constant 0 : i32
      %dma_wait3A_289 = tpu.memref_slice %arg4[%dma_wait3A_287, %dma_wait3A_288] : memref<16384x1024xf32, #tpu.memory_space<hbm>> -> memref<8x1024xf32, #tpu.memory_space<hbm>>
      tpu.wait_dma2 semaphore(%dma_wait3A_282 : memref<!tpu.dma_semaphore, #tpu.memory_space<semaphore_mem>>) src(%dma_wait3A_289 : memref<8x1024xf32, #tpu.memory_space<hbm>>) dst(%dma_wait3A_286 : memref<8x1024xf32, #tpu.memory_space<vmem>>)
      %parallel_loop3A = arith.constant 0 : i32
      %parallel_loop3A_290 = arith.constant 8 : i32
      %parallel_loop3A_291 = arith.constant 1 : i32
      %parallel_loop3A_292 = arith.constant 0 : i32
      scf.for %parallel_loop3A_652 = %parallel_loop3A to %parallel_loop3A_290 step %parallel_loop3A_291  : i32 {
        %parallel_loop3A_653 = arith.constant 0 : i32
        %parallel_loop3A_654 = arith.constant 64 : i32
        %parallel_loop3A_655 = arith.constant 1 : i32
        scf.for %parallel_loop3A_656 = %parallel_loop3A_653 to %parallel_loop3A_654 step %parallel_loop3A_655  : i32 {
          %parallel_loop3A_657 = arith.constant 16 : i32
          %parallel_loop3A_658 = arith.muli %parallel_loop3A_656, %parallel_loop3A_657 : i32
          %parallel_loop3A_659 = arith.constant 0 : i32
          %parallel_loop3A_660 = arith.constant 0 : i32
          %parallel_loop3A_661 = tpu.memref_slice %arg6[%parallel_loop3A_292, %parallel_loop3A_659, %parallel_loop3A_660] : memref<8x8x1024xf32, #tpu.memory_space<vmem>> -> memref<1x8x1024xf32, #tpu.memory_space<vmem>>
          %parallel_loop3A_662 = tpu.memref_squeeze %parallel_loop3A_661 : memref<1x8x1024xf32, #tpu.memory_space<vmem>> -> memref<8x1024xf32, #tpu.memory_space<vmem>>
          %parallel_loop3A_663 = arith.index_cast %parallel_loop3A_652 : i32 to index
          %parallel_loop3A_664 = arith.index_cast %parallel_loop3A_658 : i32 to index
          %parallel_loop3A_665 = tpu.vector_load %parallel_loop3A_662[%parallel_loop3A_663, %parallel_loop3A_664] {strides = array<i32>} : memref<8x1024xf32, #tpu.memory_space<vmem>>, vector<1x16xf32>,
          %parallel_loop3A_666 = vector.shape_cast %parallel_loop3A_665 : vector<1x16xf32> to vector<16xf32>
          %parallel_loop3A_667 = arith.constant 3.200000e+01 : f32
          %parallel_loop3A_668 = vector.broadcast %parallel_loop3A_667 : f32 to vector<16xf32>
          %parallel_loop3A_669 = arith.mulf %parallel_loop3A_666, %parallel_loop3A_668 : vector<16xf32>
          %parallel_loop3A_670 = arith.constant 0 : i32
          %parallel_loop3A_671 = arith.constant 0 : i32
          %parallel_loop3A_672 = tpu.memref_slice %arg6[%parallel_loop3A_292, %parallel_loop3A_670, %parallel_loop3A_671] : memref<8x8x1024xf32, #tpu.memory_space<vmem>> -> memref<1x8x1024xf32, #tpu.memory_space<vmem>>
          %parallel_loop3A_673 = tpu.memref_squeeze %parallel_loop3A_672 : memref<1x8x1024xf32, #tpu.memory_space<vmem>> -> memref<8x1024xf32, #tpu.memory_space<vmem>>
          %parallel_loop3A_674 = arith.index_cast %parallel_loop3A_652 : i32 to index
          %parallel_loop3A_675 = arith.index_cast %parallel_loop3A_658 : i32 to index
          %parallel_loop3A_676 = tpu.vector_load %parallel_loop3A_673[%parallel_loop3A_674, %parallel_loop3A_675] {strides = array<i32>} : memref<8x1024xf32, #tpu.memory_space<vmem>>, vector<1x16xf32>,
          %parallel_loop3A_677 = vector.shape_cast %parallel_loop3A_676 : vector<1x16xf32> to vector<16xf32>
          %parallel_loop3A_678 = vector.shape_cast %parallel_loop3A_669 : vector<16xf32> to vector<1x16xf32>
          tpu.vector_store %parallel_loop3A_673[%parallel_loop3A_674, %parallel_loop3A_675], %parallel_loop3A_678 {strides = array<i32>} : memref<8x1024xf32, #tpu.memory_space<vmem>>, vector<1x16xf32>,
        } {sc.loop_unroll_factor = 8 : i64, sc.parallel_access}
      } {sc.loop_unroll_factor = 1 : i64, sc.parallel_access}
      %add3A_293 = arith.constant 0 : i32
      %add3A_294 = arith.addi %mul3A_271, %add3A_293 : i32
      %mul3A_295 = arith.constant 8 : i32
      %mul3A_296 = arith.muli %add3A_294, %mul3A_295 : i32
      %add3A_297 = arith.addi %mul3A_2, %mul3A_296 : i32
      %dma_start3A_298 = arith.constant 0 : i32
      %dma_start3A_299 = arith.constant 0 : i32
      %dma_start3A_300 = arith.constant 0 : i32
      %dma_start3A_301 = arith.constant 0 : i32
      %dma_start3A_302 = tpu.memref_slice %arg6[%dma_start3A_298, %dma_start3A_300, %dma_start3A_301] : memref<8x8x1024xf32, #tpu.memory_space<vmem>> -> memref<1x8x1024xf32, #tpu.memory_space<vmem>>
      %dma_start3A_303 = tpu.memref_squeeze %dma_start3A_302 : memref<1x8x1024xf32, #tpu.memory_space<vmem>> -> memref<8x1024xf32, #tpu.memory_space<vmem>>
      %dma_start3A_304 = arith.constant 0 : i32
      %dma_start3A_305 = tpu.memref_slice %arg4[%add3A_297, %dma_start3A_304] : memref<16384x1024xf32, #tpu.memory_space<hbm>> -> memref<8x1024xf32, #tpu.memory_space<hbm>>
      %dma_start3A_306 = tpu.memref_slice %arg8[%dma_start3A_299] : memref<8x!tpu.dma_semaphore, #tpu.memory_space<semaphore_mem>> -> memref<1x!tpu.dma_semaphore, #tpu.memory_space<semaphore_mem>>
      %dma_start3A_307 = tpu.memref_squeeze %dma_start3A_306 : memref<1x!tpu.dma_semaphore, #tpu.memory_space<semaphore_mem>> -> memref<!tpu.dma_semaphore, #tpu.memory_space<semaphore_mem>>
      %dma_start3A_308 = arith.constant 0 : i32
      %dma_start3A_309 = tpu.memref_slice %arg4[%add3A_297, %dma_start3A_308] : memref<16384x1024xf32, #tpu.memory_space<hbm>> -> memref<8x1024xf32, #tpu.memory_space<hbm>>
      %dma_start3A_310 = arith.constant 0 : i32
      %dma_start3A_311 = arith.constant 0 : i32
      %dma_start3A_312 = tpu.memref_slice %arg6[%dma_start3A_298, %dma_start3A_310, %dma_start3A_311] : memref<8x8x1024xf32, #tpu.memory_space<vmem>> -> memref<1x8x1024xf32, #tpu.memory_space<vmem>>
      %dma_start3A_313 = tpu.memref_squeeze %dma_start3A_312 : memref<1x8x1024xf32, #tpu.memory_space<vmem>> -> memref<8x1024xf32, #tpu.memory_space<vmem>>
      tpu.enqueue_dma source(%dma_start3A_313 : memref<8x1024xf32, #tpu.memory_space<vmem>>) target(%dma_start3A_309 : memref<8x1024xf32, #tpu.memory_space<hbm>>) target_semaphore(%dma_start3A_307 : memref<!tpu.dma_semaphore, #tpu.memory_space<semaphore_mem>>)
      %dma_wait3A_314 = arith.constant 1 : i32
      %dma_wait3A_315 = arith.constant 1 : i32
      %dma_wait3A_316 = arith.constant 0 : i32
      %dma_wait3A_317 = arith.constant 0 : i32
      %dma_wait3A_318 = tpu.memref_slice %arg6[%dma_wait3A_314, %dma_wait3A_316, %dma_wait3A_317] : memref<8x8x1024xf32, #tpu.memory_space<vmem>> -> memref<1x8x1024xf32, #tpu.memory_space<vmem>>
      %dma_wait3A_319 = tpu.memref_squeeze %dma_wait3A_318 : memref<1x8x1024xf32, #tpu.memory_space<vmem>> -> memref<8x1024xf32, #tpu.memory_space<vmem>>
      %dma_wait3A_320 = arith.constant 0 : i32
      %dma_wait3A_321 = arith.constant 0 : i32
      %dma_wait3A_322 = tpu.memref_slice %arg4[%dma_wait3A_320, %dma_wait3A_321] : memref<16384x1024xf32, #tpu.memory_space<hbm>> -> memref<8x1024xf32, #tpu.memory_space<hbm>>
      %dma_wait3A_323 = tpu.memref_slice %arg7[%dma_wait3A_315] : memref<8x!tpu.dma_semaphore, #tpu.memory_space<semaphore_mem>> -> memref<1x!tpu.dma_semaphore, #tpu.memory_space<semaphore_mem>>
      %dma_wait3A_324 = tpu.memref_squeeze %dma_wait3A_323 : memref<1x!tpu.dma_semaphore, #tpu.memory_space<semaphore_mem>> -> memref<!tpu.dma_semaphore, #tpu.memory_space<semaphore_mem>>
      %dma_wait3A_325 = arith.constant 0 : i32
      %dma_wait3A_326 = arith.constant 0 : i32
      %dma_wait3A_327 = tpu.memref_slice %arg6[%dma_wait3A_314, %dma_wait3A_325, %dma_wait3A_326] : memref<8x8x1024xf32, #tpu.memory_space<vmem>> -> memref<1x8x1024xf32, #tpu.memory_space<vmem>>
      %dma_wait3A_328 = tpu.memref_squeeze %dma_wait3A_327 : memref<1x8x1024xf32, #tpu.memory_space<vmem>> -> memref<8x1024xf32, #tpu.memory_space<vmem>>
      %dma_wait3A_329 = arith.constant 0 : i32
      %dma_wait3A_330 = arith.constant 0 : i32
      %dma_wait3A_331 = tpu.memref_slice %arg4[%dma_wait3A_329, %dma_wait3A_330] : memref<16384x1024xf32, #tpu.memory_space<hbm>> -> memref<8x1024xf32, #tpu.memory_space<hbm>>
      tpu.wait_dma2 semaphore(%dma_wait3A_324 : memref<!tpu.dma_semaphore, #tpu.memory_space<semaphore_mem>>) src(%dma_wait3A_331 : memref<8x1024xf32, #tpu.memory_space<hbm>>) dst(%dma_wait3A_328 : memref<8x1024xf32, #tpu.memory_space<vmem>>)
      %parallel_loop3A_332 = arith.constant 0 : i32
      %parallel_loop3A_333 = arith.constant 8 : i32
      %parallel_loop3A_334 = arith.constant 1 : i32
      %parallel_loop3A_335 = arith.constant 1 : i32
      scf.for %parallel_loop3A_652 = %parallel_loop3A_332 to %parallel_loop3A_333 step %parallel_loop3A_334  : i32 {
        %parallel_loop3A_653 = arith.constant 0 : i32
        %parallel_loop3A_654 = arith.constant 64 : i32
        %parallel_loop3A_655 = arith.constant 1 : i32
        scf.for %parallel_loop3A_656 = %parallel_loop3A_653 to %parallel_loop3A_654 step %parallel_loop3A_655  : i32 {
          %parallel_loop3A_657 = arith.constant 16 : i32
          %parallel_loop3A_658 = arith.muli %parallel_loop3A_656, %parallel_loop3A_657 : i32
          %parallel_loop3A_659 = arith.constant 0 : i32
          %parallel_loop3A_660 = arith.constant 0 : i32
          %parallel_loop3A_661 = tpu.memref_slice %arg6[%parallel_loop3A_335, %parallel_loop3A_659, %parallel_loop3A_660] : memref<8x8x1024xf32, #tpu.memory_space<vmem>> -> memref<1x8x1024xf32, #tpu.memory_space<vmem>>
          %parallel_loop3A_662 = tpu.memref_squeeze %parallel_loop3A_661 : memref<1x8x1024xf32, #tpu.memory_space<vmem>> -> memref<8x1024xf32, #tpu.memory_space<vmem>>
          %parallel_loop3A_663 = arith.index_cast %parallel_loop3A_652 : i32 to index
          %parallel_loop3A_664 = arith.index_cast %parallel_loop3A_658 : i32 to index
          %parallel_loop3A_665 = tpu.vector_load %parallel_loop3A_662[%parallel_loop3A_663, %parallel_loop3A_664] {strides = array<i32>} : memref<8x1024xf32, #tpu.memory_space<vmem>>, vector<1x16xf32>,
          %parallel_loop3A_666 = vector.shape_cast %parallel_loop3A_665 : vector<1x16xf32> to vector<16xf32>
          %parallel_loop3A_667 = arith.constant 3.200000e+01 : f32
          %parallel_loop3A_668 = vector.broadcast %parallel_loop3A_667 : f32 to vector<16xf32>
          %parallel_loop3A_669 = arith.mulf %parallel_loop3A_666, %parallel_loop3A_668 : vector<16xf32>
          %parallel_loop3A_670 = arith.constant 0 : i32
          %parallel_loop3A_671 = arith.constant 0 : i32
          %parallel_loop3A_672 = tpu.memref_slice %arg6[%parallel_loop3A_335, %parallel_loop3A_670, %parallel_loop3A_671] : memref<8x8x1024xf32, #tpu.memory_space<vmem>> -> memref<1x8x1024xf32, #tpu.memory_space<vmem>>
          %parallel_loop3A_673 = tpu.memref_squeeze %parallel_loop3A_672 : memref<1x8x1024xf32, #tpu.memory_space<vmem>> -> memref<8x1024xf32, #tpu.memory_space<vmem>>
          %parallel_loop3A_674 = arith.index_cast %parallel_loop3A_652 : i32 to index
          %parallel_loop3A_675 = arith.index_cast %parallel_loop3A_658 : i32 to index
          %parallel_loop3A_676 = tpu.vector_load %parallel_loop3A_673[%parallel_loop3A_674, %parallel_loop3A_675] {strides = array<i32>} : memref<8x1024xf32, #tpu.memory_space<vmem>>, vector<1x16xf32>,
          %parallel_loop3A_677 = vector.shape_cast %parallel_loop3A_676 : vector<1x16xf32> to vector<16xf32>
          %parallel_loop3A_678 = vector.shape_cast %parallel_loop3A_669 : vector<16xf32> to vector<1x16xf32>
          tpu.vector_store %parallel_loop3A_673[%parallel_loop3A_674, %parallel_loop3A_675], %parallel_loop3A_678 {strides = array<i32>} : memref<8x1024xf32, #tpu.memory_space<vmem>>, vector<1x16xf32>,
        } {sc.loop_unroll_factor = 8 : i64, sc.parallel_access}
      } {sc.loop_unroll_factor = 1 : i64, sc.parallel_access}
      %add3A_336 = arith.constant 1 : i32
      %add3A_337 = arith.addi %mul3A_271, %add3A_336 : i32
      %mul3A_338 = arith.constant 8 : i32
      %mul3A_339 = arith.muli %add3A_337, %mul3A_338 : i32
      %add3A_340 = arith.addi %mul3A_2, %mul3A_339 : i32
      %dma_start3A_341 = arith.constant 1 : i32
      %dma_start3A_342 = arith.constant 1 : i32
      %dma_start3A_343 = arith.constant 0 : i32
      %dma_start3A_344 = arith.constant 0 : i32
      %dma_start3A_345 = tpu.memref_slice %arg6[%dma_start3A_341, %dma_start3A_343, %dma_start3A_344] : memref<8x8x1024xf32, #tpu.memory_space<vmem>> -> memref<1x8x1024xf32, #tpu.memory_space<vmem>>
      %dma_start3A_346 = tpu.memref_squeeze %dma_start3A_345 : memref<1x8x1024xf32, #tpu.memory_space<vmem>> -> memref<8x1024xf32, #tpu.memory_space<vmem>>
      %dma_start3A_347 = arith.constant 0 : i32
      %dma_start3A_348 = tpu.memref_slice %arg4[%add3A_340, %dma_start3A_347] : memref<16384x1024xf32, #tpu.memory_space<hbm>> -> memref<8x1024xf32, #tpu.memory_space<hbm>>
      %dma_start3A_349 = tpu.memref_slice %arg8[%dma_start3A_342] : memref<8x!tpu.dma_semaphore, #tpu.memory_space<semaphore_mem>> -> memref<1x!tpu.dma_semaphore, #tpu.memory_space<semaphore_mem>>
      %dma_start3A_350 = tpu.memref_squeeze %dma_start3A_349 : memref<1x!tpu.dma_semaphore, #tpu.memory_space<semaphore_mem>> -> memref<!tpu.dma_semaphore, #tpu.memory_space<semaphore_mem>>
      %dma_start3A_351 = arith.constant 0 : i32
      %dma_start3A_352 = tpu.memref_slice %arg4[%add3A_340, %dma_start3A_351] : memref<16384x1024xf32, #tpu.memory_space<hbm>> -> memref<8x1024xf32, #tpu.memory_space<hbm>>
      %dma_start3A_353 = arith.constant 0 : i32
      %dma_start3A_354 = arith.constant 0 : i32
      %dma_start3A_355 = tpu.memref_slice %arg6[%dma_start3A_341, %dma_start3A_353, %dma_start3A_354] : memref<8x8x1024xf32, #tpu.memory_space<vmem>> -> memref<1x8x1024xf32, #tpu.memory_space<vmem>>
      %dma_start3A_356 = tpu.memref_squeeze %dma_start3A_355 : memref<1x8x1024xf32, #tpu.memory_space<vmem>> -> memref<8x1024xf32, #tpu.memory_space<vmem>>
      tpu.enqueue_dma source(%dma_start3A_356 : memref<8x1024xf32, #tpu.memory_space<vmem>>) target(%dma_start3A_352 : memref<8x1024xf32, #tpu.memory_space<hbm>>) target_semaphore(%dma_start3A_350 : memref<!tpu.dma_semaphore, #tpu.memory_space<semaphore_mem>>)
      %lt3A = arith.constant 7 : i32
      %lt3A_357 = arith.cmpi slt, %scan3A_269, %lt3A : i32
      %convert_element_type3A = arith.extui %lt3A_357 : i1 to i32
      %cond3A = arith.constant 0 : i32
      %cond3A_358 = arith.cmpi ne, %convert_element_type3A, %cond3A : i32
      scf.if %cond3A_358 {
        %dma_wait3A_652 = arith.constant 0 : i32
        %dma_wait3A_653 = arith.constant 0 : i32
        %dma_wait3A_654 = arith.constant 0 : i32
        %dma_wait3A_655 = arith.constant 0 : i32
        %dma_wait3A_656 = tpu.memref_slice %arg6[%dma_wait3A_652, %dma_wait3A_654, %dma_wait3A_655] : memref<8x8x1024xf32, #tpu.memory_space<vmem>> -> memref<1x8x1024xf32, #tpu.memory_space<vmem>>
        %dma_wait3A_657 = tpu.memref_squeeze %dma_wait3A_656 : memref<1x8x1024xf32, #tpu.memory_space<vmem>> -> memref<8x1024xf32, #tpu.memory_space<vmem>>
        %dma_wait3A_658 = arith.constant 0 : i32
        %dma_wait3A_659 = arith.constant 0 : i32
        %dma_wait3A_660 = tpu.memref_slice %arg4[%dma_wait3A_658, %dma_wait3A_659] : memref<16384x1024xf32, #tpu.memory_space<hbm>> -> memref<8x1024xf32, #tpu.memory_space<hbm>>
        %dma_wait3A_661 = tpu.memref_slice %arg8[%dma_wait3A_653] : memref<8x!tpu.dma_semaphore, #tpu.memory_space<semaphore_mem>> -> memref<1x!tpu.dma_semaphore, #tpu.memory_space<semaphore_mem>>
        %dma_wait3A_662 = tpu.memref_squeeze %dma_wait3A_661 : memref<1x!tpu.dma_semaphore, #tpu.memory_space<semaphore_mem>> -> memref<!tpu.dma_semaphore, #tpu.memory_space<semaphore_mem>>
        %dma_wait3A_663 = arith.constant 0 : i32
        %dma_wait3A_664 = arith.constant 0 : i32
        %dma_wait3A_665 = tpu.memref_slice %arg4[%dma_wait3A_663, %dma_wait3A_664] : memref<16384x1024xf32, #tpu.memory_space<hbm>> -> memref<8x1024xf32, #tpu.memory_space<hbm>>
        %dma_wait3A_666 = arith.constant 0 : i32
        %dma_wait3A_667 = arith.constant 0 : i32
        %dma_wait3A_668 = tpu.memref_slice %arg6[%dma_wait3A_652, %dma_wait3A_666, %dma_wait3A_667] : memref<8x8x1024xf32, #tpu.memory_space<vmem>> -> memref<1x8x1024xf32, #tpu.memory_space<vmem>>
        %dma_wait3A_669 = tpu.memref_squeeze %dma_wait3A_668 : memref<1x8x1024xf32, #tpu.memory_space<vmem>> -> memref<8x1024xf32, #tpu.memory_space<vmem>>
        tpu.wait_dma2 semaphore(%dma_wait3A_662 : memref<!tpu.dma_semaphore, #tpu.memory_space<semaphore_mem>>) src(%dma_wait3A_669 : memref<8x1024xf32, #tpu.memory_space<vmem>>) dst(%dma_wait3A_665 : memref<8x1024xf32, #tpu.memory_space<hbm>>)
        %add3A_670 = arith.constant 8 : i32
        %add3A_671 = arith.addi %mul3A_271, %add3A_670 : i32
        %add3A_672 = arith.constant 1 : i32
        %add3A_673 = arith.addi %add3A_671, %add3A_672 : i32
        %sub3A = arith.constant 1 : i32
        %sub3A_674 = arith.subi %add3A_673, %sub3A : i32
        %dma_start3A_675 = arith.constant 0 : i32
        %dma_start3A_676 = arith.constant 0 : i32
        %dma_start3A_677 = arith.constant 0 : i32
        %dma_start3A_678 = arith.constant 0 : i32
        %dma_start3A_679 = tpu.memref_slice %arg6[%dma_start3A_675, %dma_start3A_677, %dma_start3A_678] : memref<8x8x1024xf32, #tpu.memory_space<vmem>> -> memref<1x8x1024xf32, #tpu.memory_space<vmem>>
        %dma_start3A_680 = tpu.memref_squeeze %dma_start3A_679 : memref<1x8x1024xf32, #tpu.memory_space<vmem>> -> memref<8x1024xf32, #tpu.memory_space<vmem>>
        %dma_start3A_681 = arith.constant 0 : i32
        %dma_start3A_682 = tpu.memref_slice %arg5[%sub3A_674, %dma_start3A_681] : memref<64x8xi32, #tpu.memory_space<vmem>> -> memref<1x8xi32, #tpu.memory_space<vmem>>
        %dma_start3A_683 = tpu.memref_squeeze %dma_start3A_682 : memref<1x8xi32, #tpu.memory_space<vmem>> -> memref<8xi32, #tpu.memory_space<vmem>>
        %dma_start3A_684 = arith.constant 0 : i32
        %dma_start3A_685 = arith.constant 0 : i32
        %dma_start3A_686 = tpu.memref_slice %arg3[%dma_start3A_684, %dma_start3A_685] : memref<100000x1024xf32, #tpu.memory_space<hbm>> -> memref<100000x1024xf32, #tpu.memory_space<hbm>>
        %dma_start3A_687 = tpu.memref_slice %arg7[%dma_start3A_676] : memref<8x!tpu.dma_semaphore, #tpu.memory_space<semaphore_mem>> -> memref<1x!tpu.dma_semaphore, #tpu.memory_space<semaphore_mem>>
        %dma_start3A_688 = tpu.memref_squeeze %dma_start3A_687 : memref<1x!tpu.dma_semaphore, #tpu.memory_space<semaphore_mem>> -> memref<!tpu.dma_semaphore, #tpu.memory_space<semaphore_mem>>
        tpu.enqueue_indirect_dma source(%dma_start3A_686 : memref<100000x1024xf32, #tpu.memory_space<hbm>>) target(%dma_start3A_680 : memref<8x1024xf32, #tpu.memory_space<vmem>>) offsets(%dma_start3A_683 : memref<8xi32, #tpu.memory_space<vmem>>) semaphore(%dma_start3A_688 : memref<!tpu.dma_semaphore, #tpu.memory_space<semaphore_mem>>)
      } else {
      }
      %dma_wait3A_359 = arith.constant 2 : i32
      %dma_wait3A_360 = arith.constant 2 : i32
      %dma_wait3A_361 = arith.constant 0 : i32
      %dma_wait3A_362 = arith.constant 0 : i32
      %dma_wait3A_363 = tpu.memref_slice %arg6[%dma_wait3A_359, %dma_wait3A_361, %dma_wait3A_362] : memref<8x8x1024xf32, #tpu.memory_space<vmem>> -> memref<1x8x1024xf32, #tpu.memory_space<vmem>>
      %dma_wait3A_364 = tpu.memref_squeeze %dma_wait3A_363 : memref<1x8x1024xf32, #tpu.memory_space<vmem>> -> memref<8x1024xf32, #tpu.memory_space<vmem>>
      %dma_wait3A_365 = arith.constant 0 : i32
      %dma_wait3A_366 = arith.constant 0 : i32
      %dma_wait3A_367 = tpu.memref_slice %arg4[%dma_wait3A_365, %dma_wait3A_366] : memref<16384x1024xf32, #tpu.memory_space<hbm>> -> memref<8x1024xf32, #tpu.memory_space<hbm>>
      %dma_wait3A_368 = tpu.memref_slice %arg7[%dma_wait3A_360] : memref<8x!tpu.dma_semaphore, #tpu.memory_space<semaphore_mem>> -> memref<1x!tpu.dma_semaphore, #tpu.memory_space<semaphore_mem>>
      %dma_wait3A_369 = tpu.memref_squeeze %dma_wait3A_368 : memref<1x!tpu.dma_semaphore, #tpu.memory_space<semaphore_mem>> -> memref<!tpu.dma_semaphore, #tpu.memory_space<semaphore_mem>>
      %dma_wait3A_370 = arith.constant 0 : i32
      %dma_wait3A_371 = arith.constant 0 : i32
      %dma_wait3A_372 = tpu.memref_slice %arg6[%dma_wait3A_359, %dma_wait3A_370, %dma_wait3A_371] : memref<8x8x1024xf32, #tpu.memory_space<vmem>> -> memref<1x8x1024xf32, #tpu.memory_space<vmem>>
      %dma_wait3A_373 = tpu.memref_squeeze %dma_wait3A_372 : memref<1x8x1024xf32, #tpu.memory_space<vmem>> -> memref<8x1024xf32, #tpu.memory_space<vmem>>
      %dma_wait3A_374 = arith.constant 0 : i32
      %dma_wait3A_375 = arith.constant 0 : i32
      %dma_wait3A_376 = tpu.memref_slice %arg4[%dma_wait3A_374, %dma_wait3A_375] : memref<16384x1024xf32, #tpu.memory_space<hbm>> -> memref<8x1024xf32, #tpu.memory_space<hbm>>
      tpu.wait_dma2 semaphore(%dma_wait3A_369 : memref<!tpu.dma_semaphore, #tpu.memory_space<semaphore_mem>>) src(%dma_wait3A_376 : memref<8x1024xf32, #tpu.memory_space<hbm>>) dst(%dma_wait3A_373 : memref<8x1024xf32, #tpu.memory_space<vmem>>)
      %parallel_loop3A_377 = arith.constant 0 : i32
      %parallel_loop3A_378 = arith.constant 8 : i32
      %parallel_loop3A_379 = arith.constant 1 : i32
      %parallel_loop3A_380 = arith.constant 2 : i32
      scf.for %parallel_loop3A_652 = %parallel_loop3A_377 to %parallel_loop3A_378 step %parallel_loop3A_379  : i32 {
        %parallel_loop3A_653 = arith.constant 0 : i32
        %parallel_loop3A_654 = arith.constant 64 : i32
        %parallel_loop3A_655 = arith.constant 1 : i32
        scf.for %parallel_loop3A_656 = %parallel_loop3A_653 to %parallel_loop3A_654 step %parallel_loop3A_655  : i32 {
          %parallel_loop3A_657 = arith.constant 16 : i32
          %parallel_loop3A_658 = arith.muli %parallel_loop3A_656, %parallel_loop3A_657 : i32
          %parallel_loop3A_659 = arith.constant 0 : i32
          %parallel_loop3A_660 = arith.constant 0 : i32
          %parallel_loop3A_661 = tpu.memref_slice %arg6[%parallel_loop3A_380, %parallel_loop3A_659, %parallel_loop3A_660] : memref<8x8x1024xf32, #tpu.memory_space<vmem>> -> memref<1x8x1024xf32, #tpu.memory_space<vmem>>
          %parallel_loop3A_662 = tpu.memref_squeeze %parallel_loop3A_661 : memref<1x8x1024xf32, #tpu.memory_space<vmem>> -> memref<8x1024xf32, #tpu.memory_space<vmem>>
          %parallel_loop3A_663 = arith.index_cast %parallel_loop3A_652 : i32 to index
          %parallel_loop3A_664 = arith.index_cast %parallel_loop3A_658 : i32 to index
          %parallel_loop3A_665 = tpu.vector_load %parallel_loop3A_662[%parallel_loop3A_663, %parallel_loop3A_664] {strides = array<i32>} : memref<8x1024xf32, #tpu.memory_space<vmem>>, vector<1x16xf32>,
          %parallel_loop3A_666 = vector.shape_cast %parallel_loop3A_665 : vector<1x16xf32> to vector<16xf32>
          %parallel_loop3A_667 = arith.constant 3.200000e+01 : f32
          %parallel_loop3A_668 = vector.broadcast %parallel_loop3A_667 : f32 to vector<16xf32>
          %parallel_loop3A_669 = arith.mulf %parallel_loop3A_666, %parallel_loop3A_668 : vector<16xf32>
          %parallel_loop3A_670 = arith.constant 0 : i32
          %parallel_loop3A_671 = arith.constant 0 : i32
          %parallel_loop3A_672 = tpu.memref_slice %arg6[%parallel_loop3A_380, %parallel_loop3A_670, %parallel_loop3A_671] : memref<8x8x1024xf32, #tpu.memory_space<vmem>> -> memref<1x8x1024xf32, #tpu.memory_space<vmem>>
          %parallel_loop3A_673 = tpu.memref_squeeze %parallel_loop3A_672 : memref<1x8x1024xf32, #tpu.memory_space<vmem>> -> memref<8x1024xf32, #tpu.memory_space<vmem>>
          %parallel_loop3A_674 = arith.index_cast %parallel_loop3A_652 : i32 to index
          %parallel_loop3A_675 = arith.index_cast %parallel_loop3A_658 : i32 to index
          %parallel_loop3A_676 = tpu.vector_load %parallel_loop3A_673[%parallel_loop3A_674, %parallel_loop3A_675] {strides = array<i32>} : memref<8x1024xf32, #tpu.memory_space<vmem>>, vector<1x16xf32>,
          %parallel_loop3A_677 = vector.shape_cast %parallel_loop3A_676 : vector<1x16xf32> to vector<16xf32>
          %parallel_loop3A_678 = vector.shape_cast %parallel_loop3A_669 : vector<16xf32> to vector<1x16xf32>
          tpu.vector_store %parallel_loop3A_673[%parallel_loop3A_674, %parallel_loop3A_675], %parallel_loop3A_678 {strides = array<i32>} : memref<8x1024xf32, #tpu.memory_space<vmem>>, vector<1x16xf32>,
        } {sc.loop_unroll_factor = 8 : i64, sc.parallel_access}
      } {sc.loop_unroll_factor = 1 : i64, sc.parallel_access}
      %add3A_381 = arith.constant 2 : i32
      %add3A_382 = arith.addi %mul3A_271, %add3A_381 : i32
      %mul3A_383 = arith.constant 8 : i32
      %mul3A_384 = arith.muli %add3A_382, %mul3A_383 : i32
      %add3A_385 = arith.addi %mul3A_2, %mul3A_384 : i32
      %dma_start3A_386 = arith.constant 2 : i32
      %dma_start3A_387 = arith.constant 2 : i32
      %dma_start3A_388 = arith.constant 0 : i32
      %dma_start3A_389 = arith.constant 0 : i32
      %dma_start3A_390 = tpu.memref_slice %arg6[%dma_start3A_386, %dma_start3A_388, %dma_start3A_389] : memref<8x8x1024xf32, #tpu.memory_space<vmem>> -> memref<1x8x1024xf32, #tpu.memory_space<vmem>>
      %dma_start3A_391 = tpu.memref_squeeze %dma_start3A_390 : memref<1x8x1024xf32, #tpu.memory_space<vmem>> -> memref<8x1024xf32, #tpu.memory_space<vmem>>
      %dma_start3A_392 = arith.constant 0 : i32
      %dma_start3A_393 = tpu.memref_slice %arg4[%add3A_385, %dma_start3A_392] : memref<16384x1024xf32, #tpu.memory_space<hbm>> -> memref<8x1024xf32, #tpu.memory_space<hbm>>
      %dma_start3A_394 = tpu.memref_slice %arg8[%dma_start3A_387] : memref<8x!tpu.dma_semaphore, #tpu.memory_space<semaphore_mem>> -> memref<1x!tpu.dma_semaphore, #tpu.memory_space<semaphore_mem>>
      %dma_start3A_395 = tpu.memref_squeeze %dma_start3A_394 : memref<1x!tpu.dma_semaphore, #tpu.memory_space<semaphore_mem>> -> memref<!tpu.dma_semaphore, #tpu.memory_space<semaphore_mem>>
      %dma_start3A_396 = arith.constant 0 : i32
      %dma_start3A_397 = tpu.memref_slice %arg4[%add3A_385, %dma_start3A_396] : memref<16384x1024xf32, #tpu.memory_space<hbm>> -> memref<8x1024xf32, #tpu.memory_space<hbm>>
      %dma_start3A_398 = arith.constant 0 : i32
      %dma_start3A_399 = arith.constant 0 : i32
      %dma_start3A_400 = tpu.memref_slice %arg6[%dma_start3A_386, %dma_start3A_398, %dma_start3A_399] : memref<8x8x1024xf32, #tpu.memory_space<vmem>> -> memref<1x8x1024xf32, #tpu.memory_space<vmem>>
      %dma_start3A_401 = tpu.memref_squeeze %dma_start3A_400 : memref<1x8x1024xf32, #tpu.memory_space<vmem>> -> memref<8x1024xf32, #tpu.memory_space<vmem>>
      tpu.enqueue_dma source(%dma_start3A_401 : memref<8x1024xf32, #tpu.memory_space<vmem>>) target(%dma_start3A_397 : memref<8x1024xf32, #tpu.memory_space<hbm>>) target_semaphore(%dma_start3A_395 : memref<!tpu.dma_semaphore, #tpu.memory_space<semaphore_mem>>)
      %lt3A_402 = arith.constant 7 : i32
      %lt3A_403 = arith.cmpi slt, %scan3A_269, %lt3A_402 : i32
      %convert_element_type3A_404 = arith.extui %lt3A_403 : i1 to i32
      %cond3A_405 = arith.constant 0 : i32
      %cond3A_406 = arith.cmpi ne, %convert_element_type3A_404, %cond3A_405 : i32
      scf.if %cond3A_406 {
        %dma_wait3A_652 = arith.constant 1 : i32
        %dma_wait3A_653 = arith.constant 1 : i32
        %dma_wait3A_654 = arith.constant 0 : i32
        %dma_wait3A_655 = arith.constant 0 : i32
        %dma_wait3A_656 = tpu.memref_slice %arg6[%dma_wait3A_652, %dma_wait3A_654, %dma_wait3A_655] : memref<8x8x1024xf32, #tpu.memory_space<vmem>> -> memref<1x8x1024xf32, #tpu.memory_space<vmem>>
        %dma_wait3A_657 = tpu.memref_squeeze %dma_wait3A_656 : memref<1x8x1024xf32, #tpu.memory_space<vmem>> -> memref<8x1024xf32, #tpu.memory_space<vmem>>
        %dma_wait3A_658 = arith.constant 0 : i32
        %dma_wait3A_659 = arith.constant 0 : i32
        %dma_wait3A_660 = tpu.memref_slice %arg4[%dma_wait3A_658, %dma_wait3A_659] : memref<16384x1024xf32, #tpu.memory_space<hbm>> -> memref<8x1024xf32, #tpu.memory_space<hbm>>
        %dma_wait3A_661 = tpu.memref_slice %arg8[%dma_wait3A_653] : memref<8x!tpu.dma_semaphore, #tpu.memory_space<semaphore_mem>> -> memref<1x!tpu.dma_semaphore, #tpu.memory_space<semaphore_mem>>
        %dma_wait3A_662 = tpu.memref_squeeze %dma_wait3A_661 : memref<1x!tpu.dma_semaphore, #tpu.memory_space<semaphore_mem>> -> memref<!tpu.dma_semaphore, #tpu.memory_space<semaphore_mem>>
        %dma_wait3A_663 = arith.constant 0 : i32
        %dma_wait3A_664 = arith.constant 0 : i32
        %dma_wait3A_665 = tpu.memref_slice %arg4[%dma_wait3A_663, %dma_wait3A_664] : memref<16384x1024xf32, #tpu.memory_space<hbm>> -> memref<8x1024xf32, #tpu.memory_space<hbm>>
        %dma_wait3A_666 = arith.constant 0 : i32
        %dma_wait3A_667 = arith.constant 0 : i32
        %dma_wait3A_668 = tpu.memref_slice %arg6[%dma_wait3A_652, %dma_wait3A_666, %dma_wait3A_667] : memref<8x8x1024xf32, #tpu.memory_space<vmem>> -> memref<1x8x1024xf32, #tpu.memory_space<vmem>>
        %dma_wait3A_669 = tpu.memref_squeeze %dma_wait3A_668 : memref<1x8x1024xf32, #tpu.memory_space<vmem>> -> memref<8x1024xf32, #tpu.memory_space<vmem>>
        tpu.wait_dma2 semaphore(%dma_wait3A_662 : memref<!tpu.dma_semaphore, #tpu.memory_space<semaphore_mem>>) src(%dma_wait3A_669 : memref<8x1024xf32, #tpu.memory_space<vmem>>) dst(%dma_wait3A_665 : memref<8x1024xf32, #tpu.memory_space<hbm>>)
        %add3A_670 = arith.constant 8 : i32
        %add3A_671 = arith.addi %mul3A_271, %add3A_670 : i32
        %add3A_672 = arith.constant 2 : i32
        %add3A_673 = arith.addi %add3A_671, %add3A_672 : i32
        %sub3A = arith.constant 1 : i32
        %sub3A_674 = arith.subi %add3A_673, %sub3A : i32
        %dma_start3A_675 = arith.constant 1 : i32
        %dma_start3A_676 = arith.constant 1 : i32
        %dma_start3A_677 = arith.constant 0 : i32
        %dma_start3A_678 = arith.constant 0 : i32
        %dma_start3A_679 = tpu.memref_slice %arg6[%dma_start3A_675, %dma_start3A_677, %dma_start3A_678] : memref<8x8x1024xf32, #tpu.memory_space<vmem>> -> memref<1x8x1024xf32, #tpu.memory_space<vmem>>
        %dma_start3A_680 = tpu.memref_squeeze %dma_start3A_679 : memref<1x8x1024xf32, #tpu.memory_space<vmem>> -> memref<8x1024xf32, #tpu.memory_space<vmem>>
        %dma_start3A_681 = arith.constant 0 : i32
        %dma_start3A_682 = tpu.memref_slice %arg5[%sub3A_674, %dma_start3A_681] : memref<64x8xi32, #tpu.memory_space<vmem>> -> memref<1x8xi32, #tpu.memory_space<vmem>>
        %dma_start3A_683 = tpu.memref_squeeze %dma_start3A_682 : memref<1x8xi32, #tpu.memory_space<vmem>> -> memref<8xi32, #tpu.memory_space<vmem>>
        %dma_start3A_684 = arith.constant 0 : i32
        %dma_start3A_685 = arith.constant 0 : i32
        %dma_start3A_686 = tpu.memref_slice %arg3[%dma_start3A_684, %dma_start3A_685] : memref<100000x1024xf32, #tpu.memory_space<hbm>> -> memref<100000x1024xf32, #tpu.memory_space<hbm>>
        %dma_start3A_687 = tpu.memref_slice %arg7[%dma_start3A_676] : memref<8x!tpu.dma_semaphore, #tpu.memory_space<semaphore_mem>> -> memref<1x!tpu.dma_semaphore, #tpu.memory_space<semaphore_mem>>
        %dma_start3A_688 = tpu.memref_squeeze %dma_start3A_687 : memref<1x!tpu.dma_semaphore, #tpu.memory_space<semaphore_mem>> -> memref<!tpu.dma_semaphore, #tpu.memory_space<semaphore_mem>>
        tpu.enqueue_indirect_dma source(%dma_start3A_686 : memref<100000x1024xf32, #tpu.memory_space<hbm>>) target(%dma_start3A_680 : memref<8x1024xf32, #tpu.memory_space<vmem>>) offsets(%dma_start3A_683 : memref<8xi32, #tpu.memory_space<vmem>>) semaphore(%dma_start3A_688 : memref<!tpu.dma_semaphore, #tpu.memory_space<semaphore_mem>>)
      } else {
      }
      %dma_wait3A_407 = arith.constant 3 : i32
      %dma_wait3A_408 = arith.constant 3 : i32
      %dma_wait3A_409 = arith.constant 0 : i32
      %dma_wait3A_410 = arith.constant 0 : i32
      %dma_wait3A_411 = tpu.memref_slice %arg6[%dma_wait3A_407, %dma_wait3A_409, %dma_wait3A_410] : memref<8x8x1024xf32, #tpu.memory_space<vmem>> -> memref<1x8x1024xf32, #tpu.memory_space<vmem>>
      %dma_wait3A_412 = tpu.memref_squeeze %dma_wait3A_411 : memref<1x8x1024xf32, #tpu.memory_space<vmem>> -> memref<8x1024xf32, #tpu.memory_space<vmem>>
      %dma_wait3A_413 = arith.constant 0 : i32
      %dma_wait3A_414 = arith.constant 0 : i32
      %dma_wait3A_415 = tpu.memref_slice %arg4[%dma_wait3A_413, %dma_wait3A_414] : memref<16384x1024xf32, #tpu.memory_space<hbm>> -> memref<8x1024xf32, #tpu.memory_space<hbm>>
      %dma_wait3A_416 = tpu.memref_slice %arg7[%dma_wait3A_408] : memref<8x!tpu.dma_semaphore, #tpu.memory_space<semaphore_mem>> -> memref<1x!tpu.dma_semaphore, #tpu.memory_space<semaphore_mem>>
      %dma_wait3A_417 = tpu.memref_squeeze %dma_wait3A_416 : memref<1x!tpu.dma_semaphore, #tpu.memory_space<semaphore_mem>> -> memref<!tpu.dma_semaphore, #tpu.memory_space<semaphore_mem>>
      %dma_wait3A_418 = arith.constant 0 : i32
      %dma_wait3A_419 = arith.constant 0 : i32
      %dma_wait3A_420 = tpu.memref_slice %arg6[%dma_wait3A_407, %dma_wait3A_418, %dma_wait3A_419] : memref<8x8x1024xf32, #tpu.memory_space<vmem>> -> memref<1x8x1024xf32, #tpu.memory_space<vmem>>
      %dma_wait3A_421 = tpu.memref_squeeze %dma_wait3A_420 : memref<1x8x1024xf32, #tpu.memory_space<vmem>> -> memref<8x1024xf32, #tpu.memory_space<vmem>>
      %dma_wait3A_422 = arith.constant 0 : i32
      %dma_wait3A_423 = arith.constant 0 : i32
      %dma_wait3A_424 = tpu.memref_slice %arg4[%dma_wait3A_422, %dma_wait3A_423] : memref<16384x1024xf32, #tpu.memory_space<hbm>> -> memref<8x1024xf32, #tpu.memory_space<hbm>>
      tpu.wait_dma2 semaphore(%dma_wait3A_417 : memref<!tpu.dma_semaphore, #tpu.memory_space<semaphore_mem>>) src(%dma_wait3A_424 : memref<8x1024xf32, #tpu.memory_space<hbm>>) dst(%dma_wait3A_421 : memref<8x1024xf32, #tpu.memory_space<vmem>>)
      %parallel_loop3A_425 = arith.constant 0 : i32
      %parallel_loop3A_426 = arith.constant 8 : i32
      %parallel_loop3A_427 = arith.constant 1 : i32
      %parallel_loop3A_428 = arith.constant 3 : i32
      scf.for %parallel_loop3A_652 = %parallel_loop3A_425 to %parallel_loop3A_426 step %parallel_loop3A_427  : i32 {
        %parallel_loop3A_653 = arith.constant 0 : i32
        %parallel_loop3A_654 = arith.constant 64 : i32
        %parallel_loop3A_655 = arith.constant 1 : i32
        scf.for %parallel_loop3A_656 = %parallel_loop3A_653 to %parallel_loop3A_654 step %parallel_loop3A_655  : i32 {
          %parallel_loop3A_657 = arith.constant 16 : i32
          %parallel_loop3A_658 = arith.muli %parallel_loop3A_656, %parallel_loop3A_657 : i32
          %parallel_loop3A_659 = arith.constant 0 : i32
          %parallel_loop3A_660 = arith.constant 0 : i32
          %parallel_loop3A_661 = tpu.memref_slice %arg6[%parallel_loop3A_428, %parallel_loop3A_659, %parallel_loop3A_660] : memref<8x8x1024xf32, #tpu.memory_space<vmem>> -> memref<1x8x1024xf32, #tpu.memory_space<vmem>>
          %parallel_loop3A_662 = tpu.memref_squeeze %parallel_loop3A_661 : memref<1x8x1024xf32, #tpu.memory_space<vmem>> -> memref<8x1024xf32, #tpu.memory_space<vmem>>
          %parallel_loop3A_663 = arith.index_cast %parallel_loop3A_652 : i32 to index
          %parallel_loop3A_664 = arith.index_cast %parallel_loop3A_658 : i32 to index
          %parallel_loop3A_665 = tpu.vector_load %parallel_loop3A_662[%parallel_loop3A_663, %parallel_loop3A_664] {strides = array<i32>} : memref<8x1024xf32, #tpu.memory_space<vmem>>, vector<1x16xf32>,
          %parallel_loop3A_666 = vector.shape_cast %parallel_loop3A_665 : vector<1x16xf32> to vector<16xf32>
          %parallel_loop3A_667 = arith.constant 3.200000e+01 : f32
          %parallel_loop3A_668 = vector.broadcast %parallel_loop3A_667 : f32 to vector<16xf32>
          %parallel_loop3A_669 = arith.mulf %parallel_loop3A_666, %parallel_loop3A_668 : vector<16xf32>
          %parallel_loop3A_670 = arith.constant 0 : i32
          %parallel_loop3A_671 = arith.constant 0 : i32
          %parallel_loop3A_672 = tpu.memref_slice %arg6[%parallel_loop3A_428, %parallel_loop3A_670, %parallel_loop3A_671] : memref<8x8x1024xf32, #tpu.memory_space<vmem>> -> memref<1x8x1024xf32, #tpu.memory_space<vmem>>
          %parallel_loop3A_673 = tpu.memref_squeeze %parallel_loop3A_672 : memref<1x8x1024xf32, #tpu.memory_space<vmem>> -> memref<8x1024xf32, #tpu.memory_space<vmem>>
          %parallel_loop3A_674 = arith.index_cast %parallel_loop3A_652 : i32 to index
          %parallel_loop3A_675 = arith.index_cast %parallel_loop3A_658 : i32 to index
          %parallel_loop3A_676 = tpu.vector_load %parallel_loop3A_673[%parallel_loop3A_674, %parallel_loop3A_675] {strides = array<i32>} : memref<8x1024xf32, #tpu.memory_space<vmem>>, vector<1x16xf32>,
          %parallel_loop3A_677 = vector.shape_cast %parallel_loop3A_676 : vector<1x16xf32> to vector<16xf32>
          %parallel_loop3A_678 = vector.shape_cast %parallel_loop3A_669 : vector<16xf32> to vector<1x16xf32>
          tpu.vector_store %parallel_loop3A_673[%parallel_loop3A_674, %parallel_loop3A_675], %parallel_loop3A_678 {strides = array<i32>} : memref<8x1024xf32, #tpu.memory_space<vmem>>, vector<1x16xf32>,
        } {sc.loop_unroll_factor = 8 : i64, sc.parallel_access}
      } {sc.loop_unroll_factor = 1 : i64, sc.parallel_access}
      %add3A_429 = arith.constant 3 : i32
      %add3A_430 = arith.addi %mul3A_271, %add3A_429 : i32
      %mul3A_431 = arith.constant 8 : i32
      %mul3A_432 = arith.muli %add3A_430, %mul3A_431 : i32
      %add3A_433 = arith.addi %mul3A_2, %mul3A_432 : i32
      %dma_start3A_434 = arith.constant 3 : i32
      %dma_start3A_435 = arith.constant 3 : i32
      %dma_start3A_436 = arith.constant 0 : i32
      %dma_start3A_437 = arith.constant 0 : i32
      %dma_start3A_438 = tpu.memref_slice %arg6[%dma_start3A_434, %dma_start3A_436, %dma_start3A_437] : memref<8x8x1024xf32, #tpu.memory_space<vmem>> -> memref<1x8x1024xf32, #tpu.memory_space<vmem>>
      %dma_start3A_439 = tpu.memref_squeeze %dma_start3A_438 : memref<1x8x1024xf32, #tpu.memory_space<vmem>> -> memref<8x1024xf32, #tpu.memory_space<vmem>>
      %dma_start3A_440 = arith.constant 0 : i32
      %dma_start3A_441 = tpu.memref_slice %arg4[%add3A_433, %dma_start3A_440] : memref<16384x1024xf32, #tpu.memory_space<hbm>> -> memref<8x1024xf32, #tpu.memory_space<hbm>>
      %dma_start3A_442 = tpu.memref_slice %arg8[%dma_start3A_435] : memref<8x!tpu.dma_semaphore, #tpu.memory_space<semaphore_mem>> -> memref<1x!tpu.dma_semaphore, #tpu.memory_space<semaphore_mem>>
      %dma_start3A_443 = tpu.memref_squeeze %dma_start3A_442 : memref<1x!tpu.dma_semaphore, #tpu.memory_space<semaphore_mem>> -> memref<!tpu.dma_semaphore, #tpu.memory_space<semaphore_mem>>
      %dma_start3A_444 = arith.constant 0 : i32
      %dma_start3A_445 = tpu.memref_slice %arg4[%add3A_433, %dma_start3A_444] : memref<16384x1024xf32, #tpu.memory_space<hbm>> -> memref<8x1024xf32, #tpu.memory_space<hbm>>
      %dma_start3A_446 = arith.constant 0 : i32
      %dma_start3A_447 = arith.constant 0 : i32
      %dma_start3A_448 = tpu.memref_slice %arg6[%dma_start3A_434, %dma_start3A_446, %dma_start3A_447] : memref<8x8x1024xf32, #tpu.memory_space<vmem>> -> memref<1x8x1024xf32, #tpu.memory_space<vmem>>
      %dma_start3A_449 = tpu.memref_squeeze %dma_start3A_448 : memref<1x8x1024xf32, #tpu.memory_space<vmem>> -> memref<8x1024xf32, #tpu.memory_space<vmem>>
      tpu.enqueue_dma source(%dma_start3A_449 : memref<8x1024xf32, #tpu.memory_space<vmem>>) target(%dma_start3A_445 : memref<8x1024xf32, #tpu.memory_space<hbm>>) target_semaphore(%dma_start3A_443 : memref<!tpu.dma_semaphore, #tpu.memory_space<semaphore_mem>>)
      %lt3A_450 = arith.constant 7 : i32
      %lt3A_451 = arith.cmpi slt, %scan3A_269, %lt3A_450 : i32
      %convert_element_type3A_452 = arith.extui %lt3A_451 : i1 to i32
      %cond3A_453 = arith.constant 0 : i32
      %cond3A_454 = arith.cmpi ne, %convert_element_type3A_452, %cond3A_453 : i32
      scf.if %cond3A_454 {
        %dma_wait3A_652 = arith.constant 2 : i32
        %dma_wait3A_653 = arith.constant 2 : i32
        %dma_wait3A_654 = arith.constant 0 : i32
        %dma_wait3A_655 = arith.constant 0 : i32
        %dma_wait3A_656 = tpu.memref_slice %arg6[%dma_wait3A_652, %dma_wait3A_654, %dma_wait3A_655] : memref<8x8x1024xf32, #tpu.memory_space<vmem>> -> memref<1x8x1024xf32, #tpu.memory_space<vmem>>
        %dma_wait3A_657 = tpu.memref_squeeze %dma_wait3A_656 : memref<1x8x1024xf32, #tpu.memory_space<vmem>> -> memref<8x1024xf32, #tpu.memory_space<vmem>>
        %dma_wait3A_658 = arith.constant 0 : i32
        %dma_wait3A_659 = arith.constant 0 : i32
        %dma_wait3A_660 = tpu.memref_slice %arg4[%dma_wait3A_658, %dma_wait3A_659] : memref<16384x1024xf32, #tpu.memory_space<hbm>> -> memref<8x1024xf32, #tpu.memory_space<hbm>>
        %dma_wait3A_661 = tpu.memref_slice %arg8[%dma_wait3A_653] : memref<8x!tpu.dma_semaphore, #tpu.memory_space<semaphore_mem>> -> memref<1x!tpu.dma_semaphore, #tpu.memory_space<semaphore_mem>>
        %dma_wait3A_662 = tpu.memref_squeeze %dma_wait3A_661 : memref<1x!tpu.dma_semaphore, #tpu.memory_space<semaphore_mem>> -> memref<!tpu.dma_semaphore, #tpu.memory_space<semaphore_mem>>
        %dma_wait3A_663 = arith.constant 0 : i32
        %dma_wait3A_664 = arith.constant 0 : i32
        %dma_wait3A_665 = tpu.memref_slice %arg4[%dma_wait3A_663, %dma_wait3A_664] : memref<16384x1024xf32, #tpu.memory_space<hbm>> -> memref<8x1024xf32, #tpu.memory_space<hbm>>
        %dma_wait3A_666 = arith.constant 0 : i32
        %dma_wait3A_667 = arith.constant 0 : i32
        %dma_wait3A_668 = tpu.memref_slice %arg6[%dma_wait3A_652, %dma_wait3A_666, %dma_wait3A_667] : memref<8x8x1024xf32, #tpu.memory_space<vmem>> -> memref<1x8x1024xf32, #tpu.memory_space<vmem>>
        %dma_wait3A_669 = tpu.memref_squeeze %dma_wait3A_668 : memref<1x8x1024xf32, #tpu.memory_space<vmem>> -> memref<8x1024xf32, #tpu.memory_space<vmem>>
        tpu.wait_dma2 semaphore(%dma_wait3A_662 : memref<!tpu.dma_semaphore, #tpu.memory_space<semaphore_mem>>) src(%dma_wait3A_669 : memref<8x1024xf32, #tpu.memory_space<vmem>>) dst(%dma_wait3A_665 : memref<8x1024xf32, #tpu.memory_space<hbm>>)
        %add3A_670 = arith.constant 8 : i32
        %add3A_671 = arith.addi %mul3A_271, %add3A_670 : i32
        %add3A_672 = arith.constant 3 : i32
        %add3A_673 = arith.addi %add3A_671, %add3A_672 : i32
        %sub3A = arith.constant 1 : i32
        %sub3A_674 = arith.subi %add3A_673, %sub3A : i32
        %dma_start3A_675 = arith.constant 2 : i32
        %dma_start3A_676 = arith.constant 2 : i32
        %dma_start3A_677 = arith.constant 0 : i32
        %dma_start3A_678 = arith.constant 0 : i32
        %dma_start3A_679 = tpu.memref_slice %arg6[%dma_start3A_675, %dma_start3A_677, %dma_start3A_678] : memref<8x8x1024xf32, #tpu.memory_space<vmem>> -> memref<1x8x1024xf32, #tpu.memory_space<vmem>>
        %dma_start3A_680 = tpu.memref_squeeze %dma_start3A_679 : memref<1x8x1024xf32, #tpu.memory_space<vmem>> -> memref<8x1024xf32, #tpu.memory_space<vmem>>
        %dma_start3A_681 = arith.constant 0 : i32
        %dma_start3A_682 = tpu.memref_slice %arg5[%sub3A_674, %dma_start3A_681] : memref<64x8xi32, #tpu.memory_space<vmem>> -> memref<1x8xi32, #tpu.memory_space<vmem>>
        %dma_start3A_683 = tpu.memref_squeeze %dma_start3A_682 : memref<1x8xi32, #tpu.memory_space<vmem>> -> memref<8xi32, #tpu.memory_space<vmem>>
        %dma_start3A_684 = arith.constant 0 : i32
        %dma_start3A_685 = arith.constant 0 : i32
        %dma_start3A_686 = tpu.memref_slice %arg3[%dma_start3A_684, %dma_start3A_685] : memref<100000x1024xf32, #tpu.memory_space<hbm>> -> memref<100000x1024xf32, #tpu.memory_space<hbm>>
        %dma_start3A_687 = tpu.memref_slice %arg7[%dma_start3A_676] : memref<8x!tpu.dma_semaphore, #tpu.memory_space<semaphore_mem>> -> memref<1x!tpu.dma_semaphore, #tpu.memory_space<semaphore_mem>>
        %dma_start3A_688 = tpu.memref_squeeze %dma_start3A_687 : memref<1x!tpu.dma_semaphore, #tpu.memory_space<semaphore_mem>> -> memref<!tpu.dma_semaphore, #tpu.memory_space<semaphore_mem>>
        tpu.enqueue_indirect_dma source(%dma_start3A_686 : memref<100000x1024xf32, #tpu.memory_space<hbm>>) target(%dma_start3A_680 : memref<8x1024xf32, #tpu.memory_space<vmem>>) offsets(%dma_start3A_683 : memref<8xi32, #tpu.memory_space<vmem>>) semaphore(%dma_start3A_688 : memref<!tpu.dma_semaphore, #tpu.memory_space<semaphore_mem>>)
      } else {
      }
      %dma_wait3A_455 = arith.constant 4 : i32
      %dma_wait3A_456 = arith.constant 4 : i32
      %dma_wait3A_457 = arith.constant 0 : i32
      %dma_wait3A_458 = arith.constant 0 : i32
      %dma_wait3A_459 = tpu.memref_slice %arg6[%dma_wait3A_455, %dma_wait3A_457, %dma_wait3A_458] : memref<8x8x1024xf32, #tpu.memory_space<vmem>> -> memref<1x8x1024xf32, #tpu.memory_space<vmem>>
      %dma_wait3A_460 = tpu.memref_squeeze %dma_wait3A_459 : memref<1x8x1024xf32, #tpu.memory_space<vmem>> -> memref<8x1024xf32, #tpu.memory_space<vmem>>
      %dma_wait3A_461 = arith.constant 0 : i32
      %dma_wait3A_462 = arith.constant 0 : i32
      %dma_wait3A_463 = tpu.memref_slice %arg4[%dma_wait3A_461, %dma_wait3A_462] : memref<16384x1024xf32, #tpu.memory_space<hbm>> -> memref<8x1024xf32, #tpu.memory_space<hbm>>
      %dma_wait3A_464 = tpu.memref_slice %arg7[%dma_wait3A_456] : memref<8x!tpu.dma_semaphore, #tpu.memory_space<semaphore_mem>> -> memref<1x!tpu.dma_semaphore, #tpu.memory_space<semaphore_mem>>
      %dma_wait3A_465 = tpu.memref_squeeze %dma_wait3A_464 : memref<1x!tpu.dma_semaphore, #tpu.memory_space<semaphore_mem>> -> memref<!tpu.dma_semaphore, #tpu.memory_space<semaphore_mem>>
      %dma_wait3A_466 = arith.constant 0 : i32
      %dma_wait3A_467 = arith.constant 0 : i32
      %dma_wait3A_468 = tpu.memref_slice %arg6[%dma_wait3A_455, %dma_wait3A_466, %dma_wait3A_467] : memref<8x8x1024xf32, #tpu.memory_space<vmem>> -> memref<1x8x1024xf32, #tpu.memory_space<vmem>>
      %dma_wait3A_469 = tpu.memref_squeeze %dma_wait3A_468 : memref<1x8x1024xf32, #tpu.memory_space<vmem>> -> memref<8x1024xf32, #tpu.memory_space<vmem>>
      %dma_wait3A_470 = arith.constant 0 : i32
      %dma_wait3A_471 = arith.constant 0 : i32
      %dma_wait3A_472 = tpu.memref_slice %arg4[%dma_wait3A_470, %dma_wait3A_471] : memref<16384x1024xf32, #tpu.memory_space<hbm>> -> memref<8x1024xf32, #tpu.memory_space<hbm>>
      tpu.wait_dma2 semaphore(%dma_wait3A_465 : memref<!tpu.dma_semaphore, #tpu.memory_space<semaphore_mem>>) src(%dma_wait3A_472 : memref<8x1024xf32, #tpu.memory_space<hbm>>) dst(%dma_wait3A_469 : memref<8x1024xf32, #tpu.memory_space<vmem>>)
      %parallel_loop3A_473 = arith.constant 0 : i32
      %parallel_loop3A_474 = arith.constant 8 : i32
      %parallel_loop3A_475 = arith.constant 1 : i32
      %parallel_loop3A_476 = arith.constant 4 : i32
      scf.for %parallel_loop3A_652 = %parallel_loop3A_473 to %parallel_loop3A_474 step %parallel_loop3A_475  : i32 {
        %parallel_loop3A_653 = arith.constant 0 : i32
        %parallel_loop3A_654 = arith.constant 64 : i32
        %parallel_loop3A_655 = arith.constant 1 : i32
        scf.for %parallel_loop3A_656 = %parallel_loop3A_653 to %parallel_loop3A_654 step %parallel_loop3A_655  : i32 {
          %parallel_loop3A_657 = arith.constant 16 : i32
          %parallel_loop3A_658 = arith.muli %parallel_loop3A_656, %parallel_loop3A_657 : i32
          %parallel_loop3A_659 = arith.constant 0 : i32
          %parallel_loop3A_660 = arith.constant 0 : i32
          %parallel_loop3A_661 = tpu.memref_slice %arg6[%parallel_loop3A_476, %parallel_loop3A_659, %parallel_loop3A_660] : memref<8x8x1024xf32, #tpu.memory_space<vmem>> -> memref<1x8x1024xf32, #tpu.memory_space<vmem>>
          %parallel_loop3A_662 = tpu.memref_squeeze %parallel_loop3A_661 : memref<1x8x1024xf32, #tpu.memory_space<vmem>> -> memref<8x1024xf32, #tpu.memory_space<vmem>>
          %parallel_loop3A_663 = arith.index_cast %parallel_loop3A_652 : i32 to index
          %parallel_loop3A_664 = arith.index_cast %parallel_loop3A_658 : i32 to index
          %parallel_loop3A_665 = tpu.vector_load %parallel_loop3A_662[%parallel_loop3A_663, %parallel_loop3A_664] {strides = array<i32>} : memref<8x1024xf32, #tpu.memory_space<vmem>>, vector<1x16xf32>,
          %parallel_loop3A_666 = vector.shape_cast %parallel_loop3A_665 : vector<1x16xf32> to vector<16xf32>
          %parallel_loop3A_667 = arith.constant 3.200000e+01 : f32
          %parallel_loop3A_668 = vector.broadcast %parallel_loop3A_667 : f32 to vector<16xf32>
          %parallel_loop3A_669 = arith.mulf %parallel_loop3A_666, %parallel_loop3A_668 : vector<16xf32>
          %parallel_loop3A_670 = arith.constant 0 : i32
          %parallel_loop3A_671 = arith.constant 0 : i32
          %parallel_loop3A_672 = tpu.memref_slice %arg6[%parallel_loop3A_476, %parallel_loop3A_670, %parallel_loop3A_671] : memref<8x8x1024xf32, #tpu.memory_space<vmem>> -> memref<1x8x1024xf32, #tpu.memory_space<vmem>>
          %parallel_loop3A_673 = tpu.memref_squeeze %parallel_loop3A_672 : memref<1x8x1024xf32, #tpu.memory_space<vmem>> -> memref<8x1024xf32, #tpu.memory_space<vmem>>
          %parallel_loop3A_674 = arith.index_cast %parallel_loop3A_652 : i32 to index
          %parallel_loop3A_675 = arith.index_cast %parallel_loop3A_658 : i32 to index
          %parallel_loop3A_676 = tpu.vector_load %parallel_loop3A_673[%parallel_loop3A_674, %parallel_loop3A_675] {strides = array<i32>} : memref<8x1024xf32, #tpu.memory_space<vmem>>, vector<1x16xf32>,
          %parallel_loop3A_677 = vector.shape_cast %parallel_loop3A_676 : vector<1x16xf32> to vector<16xf32>
          %parallel_loop3A_678 = vector.shape_cast %parallel_loop3A_669 : vector<16xf32> to vector<1x16xf32>
          tpu.vector_store %parallel_loop3A_673[%parallel_loop3A_674, %parallel_loop3A_675], %parallel_loop3A_678 {strides = array<i32>} : memref<8x1024xf32, #tpu.memory_space<vmem>>, vector<1x16xf32>,
        } {sc.loop_unroll_factor = 8 : i64, sc.parallel_access}
      } {sc.loop_unroll_factor = 1 : i64, sc.parallel_access}
      %add3A_477 = arith.constant 4 : i32
      %add3A_478 = arith.addi %mul3A_271, %add3A_477 : i32
      %mul3A_479 = arith.constant 8 : i32
      %mul3A_480 = arith.muli %add3A_478, %mul3A_479 : i32
      %add3A_481 = arith.addi %mul3A_2, %mul3A_480 : i32
      %dma_start3A_482 = arith.constant 4 : i32
      %dma_start3A_483 = arith.constant 4 : i32
      %dma_start3A_484 = arith.constant 0 : i32
      %dma_start3A_485 = arith.constant 0 : i32
      %dma_start3A_486 = tpu.memref_slice %arg6[%dma_start3A_482, %dma_start3A_484, %dma_start3A_485] : memref<8x8x1024xf32, #tpu.memory_space<vmem>> -> memref<1x8x1024xf32, #tpu.memory_space<vmem>>
      %dma_start3A_487 = tpu.memref_squeeze %dma_start3A_486 : memref<1x8x1024xf32, #tpu.memory_space<vmem>> -> memref<8x1024xf32, #tpu.memory_space<vmem>>
      %dma_start3A_488 = arith.constant 0 : i32
      %dma_start3A_489 = tpu.memref_slice %arg4[%add3A_481, %dma_start3A_488] : memref<16384x1024xf32, #tpu.memory_space<hbm>> -> memref<8x1024xf32, #tpu.memory_space<hbm>>
      %dma_start3A_490 = tpu.memref_slice %arg8[%dma_start3A_483] : memref<8x!tpu.dma_semaphore, #tpu.memory_space<semaphore_mem>> -> memref<1x!tpu.dma_semaphore, #tpu.memory_space<semaphore_mem>>
      %dma_start3A_491 = tpu.memref_squeeze %dma_start3A_490 : memref<1x!tpu.dma_semaphore, #tpu.memory_space<semaphore_mem>> -> memref<!tpu.dma_semaphore, #tpu.memory_space<semaphore_mem>>
      %dma_start3A_492 = arith.constant 0 : i32
      %dma_start3A_493 = tpu.memref_slice %arg4[%add3A_481, %dma_start3A_492] : memref<16384x1024xf32, #tpu.memory_space<hbm>> -> memref<8x1024xf32, #tpu.memory_space<hbm>>
      %dma_start3A_494 = arith.constant 0 : i32
      %dma_start3A_495 = arith.constant 0 : i32
      %dma_start3A_496 = tpu.memref_slice %arg6[%dma_start3A_482, %dma_start3A_494, %dma_start3A_495] : memref<8x8x1024xf32, #tpu.memory_space<vmem>> -> memref<1x8x1024xf32, #tpu.memory_space<vmem>>
      %dma_start3A_497 = tpu.memref_squeeze %dma_start3A_496 : memref<1x8x1024xf32, #tpu.memory_space<vmem>> -> memref<8x1024xf32, #tpu.memory_space<vmem>>
      tpu.enqueue_dma source(%dma_start3A_497 : memref<8x1024xf32, #tpu.memory_space<vmem>>) target(%dma_start3A_493 : memref<8x1024xf32, #tpu.memory_space<hbm>>) target_semaphore(%dma_start3A_491 : memref<!tpu.dma_semaphore, #tpu.memory_space<semaphore_mem>>)
      %lt3A_498 = arith.constant 7 : i32
      %lt3A_499 = arith.cmpi slt, %scan3A_269, %lt3A_498 : i32
      %convert_element_type3A_500 = arith.extui %lt3A_499 : i1 to i32
      %cond3A_501 = arith.constant 0 : i32
      %cond3A_502 = arith.cmpi ne, %convert_element_type3A_500, %cond3A_501 : i32
      scf.if %cond3A_502 {
        %dma_wait3A_652 = arith.constant 3 : i32
        %dma_wait3A_653 = arith.constant 3 : i32
        %dma_wait3A_654 = arith.constant 0 : i32
        %dma_wait3A_655 = arith.constant 0 : i32
        %dma_wait3A_656 = tpu.memref_slice %arg6[%dma_wait3A_652, %dma_wait3A_654, %dma_wait3A_655] : memref<8x8x1024xf32, #tpu.memory_space<vmem>> -> memref<1x8x1024xf32, #tpu.memory_space<vmem>>
        %dma_wait3A_657 = tpu.memref_squeeze %dma_wait3A_656 : memref<1x8x1024xf32, #tpu.memory_space<vmem>> -> memref<8x1024xf32, #tpu.memory_space<vmem>>
        %dma_wait3A_658 = arith.constant 0 : i32
        %dma_wait3A_659 = arith.constant 0 : i32
        %dma_wait3A_660 = tpu.memref_slice %arg4[%dma_wait3A_658, %dma_wait3A_659] : memref<16384x1024xf32, #tpu.memory_space<hbm>> -> memref<8x1024xf32, #tpu.memory_space<hbm>>
        %dma_wait3A_661 = tpu.memref_slice %arg8[%dma_wait3A_653] : memref<8x!tpu.dma_semaphore, #tpu.memory_space<semaphore_mem>> -> memref<1x!tpu.dma_semaphore, #tpu.memory_space<semaphore_mem>>
        %dma_wait3A_662 = tpu.memref_squeeze %dma_wait3A_661 : memref<1x!tpu.dma_semaphore, #tpu.memory_space<semaphore_mem>> -> memref<!tpu.dma_semaphore, #tpu.memory_space<semaphore_mem>>
        %dma_wait3A_663 = arith.constant 0 : i32
        %dma_wait3A_664 = arith.constant 0 : i32
        %dma_wait3A_665 = tpu.memref_slice %arg4[%dma_wait3A_663, %dma_wait3A_664] : memref<16384x1024xf32, #tpu.memory_space<hbm>> -> memref<8x1024xf32, #tpu.memory_space<hbm>>
        %dma_wait3A_666 = arith.constant 0 : i32
        %dma_wait3A_667 = arith.constant 0 : i32
        %dma_wait3A_668 = tpu.memref_slice %arg6[%dma_wait3A_652, %dma_wait3A_666, %dma_wait3A_667] : memref<8x8x1024xf32, #tpu.memory_space<vmem>> -> memref<1x8x1024xf32, #tpu.memory_space<vmem>>
        %dma_wait3A_669 = tpu.memref_squeeze %dma_wait3A_668 : memref<1x8x1024xf32, #tpu.memory_space<vmem>> -> memref<8x1024xf32, #tpu.memory_space<vmem>>
        tpu.wait_dma2 semaphore(%dma_wait3A_662 : memref<!tpu.dma_semaphore, #tpu.memory_space<semaphore_mem>>) src(%dma_wait3A_669 : memref<8x1024xf32, #tpu.memory_space<vmem>>) dst(%dma_wait3A_665 : memref<8x1024xf32, #tpu.memory_space<hbm>>)
        %add3A_670 = arith.constant 8 : i32
        %add3A_671 = arith.addi %mul3A_271, %add3A_670 : i32
        %add3A_672 = arith.constant 4 : i32
        %add3A_673 = arith.addi %add3A_671, %add3A_672 : i32
        %sub3A = arith.constant 1 : i32
        %sub3A_674 = arith.subi %add3A_673, %sub3A : i32
        %dma_start3A_675 = arith.constant 3 : i32
        %dma_start3A_676 = arith.constant 3 : i32
        %dma_start3A_677 = arith.constant 0 : i32
        %dma_start3A_678 = arith.constant 0 : i32
        %dma_start3A_679 = tpu.memref_slice %arg6[%dma_start3A_675, %dma_start3A_677, %dma_start3A_678] : memref<8x8x1024xf32, #tpu.memory_space<vmem>> -> memref<1x8x1024xf32, #tpu.memory_space<vmem>>
        %dma_start3A_680 = tpu.memref_squeeze %dma_start3A_679 : memref<1x8x1024xf32, #tpu.memory_space<vmem>> -> memref<8x1024xf32, #tpu.memory_space<vmem>>
        %dma_start3A_681 = arith.constant 0 : i32
        %dma_start3A_682 = tpu.memref_slice %arg5[%sub3A_674, %dma_start3A_681] : memref<64x8xi32, #tpu.memory_space<vmem>> -> memref<1x8xi32, #tpu.memory_space<vmem>>
        %dma_start3A_683 = tpu.memref_squeeze %dma_start3A_682 : memref<1x8xi32, #tpu.memory_space<vmem>> -> memref<8xi32, #tpu.memory_space<vmem>>
        %dma_start3A_684 = arith.constant 0 : i32
        %dma_start3A_685 = arith.constant 0 : i32
        %dma_start3A_686 = tpu.memref_slice %arg3[%dma_start3A_684, %dma_start3A_685] : memref<100000x1024xf32, #tpu.memory_space<hbm>> -> memref<100000x1024xf32, #tpu.memory_space<hbm>>
        %dma_start3A_687 = tpu.memref_slice %arg7[%dma_start3A_676] : memref<8x!tpu.dma_semaphore, #tpu.memory_space<semaphore_mem>> -> memref<1x!tpu.dma_semaphore, #tpu.memory_space<semaphore_mem>>
        %dma_start3A_688 = tpu.memref_squeeze %dma_start3A_687 : memref<1x!tpu.dma_semaphore, #tpu.memory_space<semaphore_mem>> -> memref<!tpu.dma_semaphore, #tpu.memory_space<semaphore_mem>>
        tpu.enqueue_indirect_dma source(%dma_start3A_686 : memref<100000x1024xf32, #tpu.memory_space<hbm>>) target(%dma_start3A_680 : memref<8x1024xf32, #tpu.memory_space<vmem>>) offsets(%dma_start3A_683 : memref<8xi32, #tpu.memory_space<vmem>>) semaphore(%dma_start3A_688 : memref<!tpu.dma_semaphore, #tpu.memory_space<semaphore_mem>>)
      } else {
      }
      %dma_wait3A_503 = arith.constant 5 : i32
      %dma_wait3A_504 = arith.constant 5 : i32
      %dma_wait3A_505 = arith.constant 0 : i32
      %dma_wait3A_506 = arith.constant 0 : i32
      %dma_wait3A_507 = tpu.memref_slice %arg6[%dma_wait3A_503, %dma_wait3A_505, %dma_wait3A_506] : memref<8x8x1024xf32, #tpu.memory_space<vmem>> -> memref<1x8x1024xf32, #tpu.memory_space<vmem>>
      %dma_wait3A_508 = tpu.memref_squeeze %dma_wait3A_507 : memref<1x8x1024xf32, #tpu.memory_space<vmem>> -> memref<8x1024xf32, #tpu.memory_space<vmem>>
      %dma_wait3A_509 = arith.constant 0 : i32
      %dma_wait3A_510 = arith.constant 0 : i32
      %dma_wait3A_511 = tpu.memref_slice %arg4[%dma_wait3A_509, %dma_wait3A_510] : memref<16384x1024xf32, #tpu.memory_space<hbm>> -> memref<8x1024xf32, #tpu.memory_space<hbm>>
      %dma_wait3A_512 = tpu.memref_slice %arg7[%dma_wait3A_504] : memref<8x!tpu.dma_semaphore, #tpu.memory_space<semaphore_mem>> -> memref<1x!tpu.dma_semaphore, #tpu.memory_space<semaphore_mem>>
      %dma_wait3A_513 = tpu.memref_squeeze %dma_wait3A_512 : memref<1x!tpu.dma_semaphore, #tpu.memory_space<semaphore_mem>> -> memref<!tpu.dma_semaphore, #tpu.memory_space<semaphore_mem>>
      %dma_wait3A_514 = arith.constant 0 : i32
      %dma_wait3A_515 = arith.constant 0 : i32
      %dma_wait3A_516 = tpu.memref_slice %arg6[%dma_wait3A_503, %dma_wait3A_514, %dma_wait3A_515] : memref<8x8x1024xf32, #tpu.memory_space<vmem>> -> memref<1x8x1024xf32, #tpu.memory_space<vmem>>
      %dma_wait3A_517 = tpu.memref_squeeze %dma_wait3A_516 : memref<1x8x1024xf32, #tpu.memory_space<vmem>> -> memref<8x1024xf32, #tpu.memory_space<vmem>>
      %dma_wait3A_518 = arith.constant 0 : i32
      %dma_wait3A_519 = arith.constant 0 : i32
      %dma_wait3A_520 = tpu.memref_slice %arg4[%dma_wait3A_518, %dma_wait3A_519] : memref<16384x1024xf32, #tpu.memory_space<hbm>> -> memref<8x1024xf32, #tpu.memory_space<hbm>>
      tpu.wait_dma2 semaphore(%dma_wait3A_513 : memref<!tpu.dma_semaphore, #tpu.memory_space<semaphore_mem>>) src(%dma_wait3A_520 : memref<8x1024xf32, #tpu.memory_space<hbm>>) dst(%dma_wait3A_517 : memref<8x1024xf32, #tpu.memory_space<vmem>>)
      %parallel_loop3A_521 = arith.constant 0 : i32
      %parallel_loop3A_522 = arith.constant 8 : i32
      %parallel_loop3A_523 = arith.constant 1 : i32
      %parallel_loop3A_524 = arith.constant 5 : i32
      scf.for %parallel_loop3A_652 = %parallel_loop3A_521 to %parallel_loop3A_522 step %parallel_loop3A_523  : i32 {
        %parallel_loop3A_653 = arith.constant 0 : i32
        %parallel_loop3A_654 = arith.constant 64 : i32
        %parallel_loop3A_655 = arith.constant 1 : i32
        scf.for %parallel_loop3A_656 = %parallel_loop3A_653 to %parallel_loop3A_654 step %parallel_loop3A_655  : i32 {
          %parallel_loop3A_657 = arith.constant 16 : i32
          %parallel_loop3A_658 = arith.muli %parallel_loop3A_656, %parallel_loop3A_657 : i32
          %parallel_loop3A_659 = arith.constant 0 : i32
          %parallel_loop3A_660 = arith.constant 0 : i32
          %parallel_loop3A_661 = tpu.memref_slice %arg6[%parallel_loop3A_524, %parallel_loop3A_659, %parallel_loop3A_660] : memref<8x8x1024xf32, #tpu.memory_space<vmem>> -> memref<1x8x1024xf32, #tpu.memory_space<vmem>>
          %parallel_loop3A_662 = tpu.memref_squeeze %parallel_loop3A_661 : memref<1x8x1024xf32, #tpu.memory_space<vmem>> -> memref<8x1024xf32, #tpu.memory_space<vmem>>
          %parallel_loop3A_663 = arith.index_cast %parallel_loop3A_652 : i32 to index
          %parallel_loop3A_664 = arith.index_cast %parallel_loop3A_658 : i32 to index
          %parallel_loop3A_665 = tpu.vector_load %parallel_loop3A_662[%parallel_loop3A_663, %parallel_loop3A_664] {strides = array<i32>} : memref<8x1024xf32, #tpu.memory_space<vmem>>, vector<1x16xf32>,
          %parallel_loop3A_666 = vector.shape_cast %parallel_loop3A_665 : vector<1x16xf32> to vector<16xf32>
          %parallel_loop3A_667 = arith.constant 3.200000e+01 : f32
          %parallel_loop3A_668 = vector.broadcast %parallel_loop3A_667 : f32 to vector<16xf32>
          %parallel_loop3A_669 = arith.mulf %parallel_loop3A_666, %parallel_loop3A_668 : vector<16xf32>
          %parallel_loop3A_670 = arith.constant 0 : i32
          %parallel_loop3A_671 = arith.constant 0 : i32
          %parallel_loop3A_672 = tpu.memref_slice %arg6[%parallel_loop3A_524, %parallel_loop3A_670, %parallel_loop3A_671] : memref<8x8x1024xf32, #tpu.memory_space<vmem>> -> memref<1x8x1024xf32, #tpu.memory_space<vmem>>
          %parallel_loop3A_673 = tpu.memref_squeeze %parallel_loop3A_672 : memref<1x8x1024xf32, #tpu.memory_space<vmem>> -> memref<8x1024xf32, #tpu.memory_space<vmem>>
          %parallel_loop3A_674 = arith.index_cast %parallel_loop3A_652 : i32 to index
          %parallel_loop3A_675 = arith.index_cast %parallel_loop3A_658 : i32 to index
          %parallel_loop3A_676 = tpu.vector_load %parallel_loop3A_673[%parallel_loop3A_674, %parallel_loop3A_675] {strides = array<i32>} : memref<8x1024xf32, #tpu.memory_space<vmem>>, vector<1x16xf32>,
          %parallel_loop3A_677 = vector.shape_cast %parallel_loop3A_676 : vector<1x16xf32> to vector<16xf32>
          %parallel_loop3A_678 = vector.shape_cast %parallel_loop3A_669 : vector<16xf32> to vector<1x16xf32>
          tpu.vector_store %parallel_loop3A_673[%parallel_loop3A_674, %parallel_loop3A_675], %parallel_loop3A_678 {strides = array<i32>} : memref<8x1024xf32, #tpu.memory_space<vmem>>, vector<1x16xf32>,
        } {sc.loop_unroll_factor = 8 : i64, sc.parallel_access}
      } {sc.loop_unroll_factor = 1 : i64, sc.parallel_access}
      %add3A_525 = arith.constant 5 : i32
      %add3A_526 = arith.addi %mul3A_271, %add3A_525 : i32
      %mul3A_527 = arith.constant 8 : i32
      %mul3A_528 = arith.muli %add3A_526, %mul3A_527 : i32
      %add3A_529 = arith.addi %mul3A_2, %mul3A_528 : i32
      %dma_start3A_530 = arith.constant 5 : i32
      %dma_start3A_531 = arith.constant 5 : i32
      %dma_start3A_532 = arith.constant 0 : i32
      %dma_start3A_533 = arith.constant 0 : i32
      %dma_start3A_534 = tpu.memref_slice %arg6[%dma_start3A_530, %dma_start3A_532, %dma_start3A_533] : memref<8x8x1024xf32, #tpu.memory_space<vmem>> -> memref<1x8x1024xf32, #tpu.memory_space<vmem>>
      %dma_start3A_535 = tpu.memref_squeeze %dma_start3A_534 : memref<1x8x1024xf32, #tpu.memory_space<vmem>> -> memref<8x1024xf32, #tpu.memory_space<vmem>>
      %dma_start3A_536 = arith.constant 0 : i32
      %dma_start3A_537 = tpu.memref_slice %arg4[%add3A_529, %dma_start3A_536] : memref<16384x1024xf32, #tpu.memory_space<hbm>> -> memref<8x1024xf32, #tpu.memory_space<hbm>>
      %dma_start3A_538 = tpu.memref_slice %arg8[%dma_start3A_531] : memref<8x!tpu.dma_semaphore, #tpu.memory_space<semaphore_mem>> -> memref<1x!tpu.dma_semaphore, #tpu.memory_space<semaphore_mem>>
      %dma_start3A_539 = tpu.memref_squeeze %dma_start3A_538 : memref<1x!tpu.dma_semaphore, #tpu.memory_space<semaphore_mem>> -> memref<!tpu.dma_semaphore, #tpu.memory_space<semaphore_mem>>
      %dma_start3A_540 = arith.constant 0 : i32
      %dma_start3A_541 = tpu.memref_slice %arg4[%add3A_529, %dma_start3A_540] : memref<16384x1024xf32, #tpu.memory_space<hbm>> -> memref<8x1024xf32, #tpu.memory_space<hbm>>
      %dma_start3A_542 = arith.constant 0 : i32
      %dma_start3A_543 = arith.constant 0 : i32
      %dma_start3A_544 = tpu.memref_slice %arg6[%dma_start3A_530, %dma_start3A_542, %dma_start3A_543] : memref<8x8x1024xf32, #tpu.memory_space<vmem>> -> memref<1x8x1024xf32, #tpu.memory_space<vmem>>
      %dma_start3A_545 = tpu.memref_squeeze %dma_start3A_544 : memref<1x8x1024xf32, #tpu.memory_space<vmem>> -> memref<8x1024xf32, #tpu.memory_space<vmem>>
      tpu.enqueue_dma source(%dma_start3A_545 : memref<8x1024xf32, #tpu.memory_space<vmem>>) target(%dma_start3A_541 : memref<8x1024xf32, #tpu.memory_space<hbm>>) target_semaphore(%dma_start3A_539 : memref<!tpu.dma_semaphore, #tpu.memory_space<semaphore_mem>>)
      %lt3A_546 = arith.constant 7 : i32
      %lt3A_547 = arith.cmpi slt, %scan3A_269, %lt3A_546 : i32
      %convert_element_type3A_548 = arith.extui %lt3A_547 : i1 to i32
      %cond3A_549 = arith.constant 0 : i32
      %cond3A_550 = arith.cmpi ne, %convert_element_type3A_548, %cond3A_549 : i32
      scf.if %cond3A_550 {
        %dma_wait3A_652 = arith.constant 4 : i32
        %dma_wait3A_653 = arith.constant 4 : i32
        %dma_wait3A_654 = arith.constant 0 : i32
        %dma_wait3A_655 = arith.constant 0 : i32
        %dma_wait3A_656 = tpu.memref_slice %arg6[%dma_wait3A_652, %dma_wait3A_654, %dma_wait3A_655] : memref<8x8x1024xf32, #tpu.memory_space<vmem>> -> memref<1x8x1024xf32, #tpu.memory_space<vmem>>
        %dma_wait3A_657 = tpu.memref_squeeze %dma_wait3A_656 : memref<1x8x1024xf32, #tpu.memory_space<vmem>> -> memref<8x1024xf32, #tpu.memory_space<vmem>>
        %dma_wait3A_658 = arith.constant 0 : i32
        %dma_wait3A_659 = arith.constant 0 : i32
        %dma_wait3A_660 = tpu.memref_slice %arg4[%dma_wait3A_658, %dma_wait3A_659] : memref<16384x1024xf32, #tpu.memory_space<hbm>> -> memref<8x1024xf32, #tpu.memory_space<hbm>>
        %dma_wait3A_661 = tpu.memref_slice %arg8[%dma_wait3A_653] : memref<8x!tpu.dma_semaphore, #tpu.memory_space<semaphore_mem>> -> memref<1x!tpu.dma_semaphore, #tpu.memory_space<semaphore_mem>>
        %dma_wait3A_662 = tpu.memref_squeeze %dma_wait3A_661 : memref<1x!tpu.dma_semaphore, #tpu.memory_space<semaphore_mem>> -> memref<!tpu.dma_semaphore, #tpu.memory_space<semaphore_mem>>
        %dma_wait3A_663 = arith.constant 0 : i32
        %dma_wait3A_664 = arith.constant 0 : i32
        %dma_wait3A_665 = tpu.memref_slice %arg4[%dma_wait3A_663, %dma_wait3A_664] : memref<16384x1024xf32, #tpu.memory_space<hbm>> -> memref<8x1024xf32, #tpu.memory_space<hbm>>
        %dma_wait3A_666 = arith.constant 0 : i32
        %dma_wait3A_667 = arith.constant 0 : i32
        %dma_wait3A_668 = tpu.memref_slice %arg6[%dma_wait3A_652, %dma_wait3A_666, %dma_wait3A_667] : memref<8x8x1024xf32, #tpu.memory_space<vmem>> -> memref<1x8x1024xf32, #tpu.memory_space<vmem>>
        %dma_wait3A_669 = tpu.memref_squeeze %dma_wait3A_668 : memref<1x8x1024xf32, #tpu.memory_space<vmem>> -> memref<8x1024xf32, #tpu.memory_space<vmem>>
        tpu.wait_dma2 semaphore(%dma_wait3A_662 : memref<!tpu.dma_semaphore, #tpu.memory_space<semaphore_mem>>) src(%dma_wait3A_669 : memref<8x1024xf32, #tpu.memory_space<vmem>>) dst(%dma_wait3A_665 : memref<8x1024xf32, #tpu.memory_space<hbm>>)
        %add3A_670 = arith.constant 8 : i32
        %add3A_671 = arith.addi %mul3A_271, %add3A_670 : i32
        %add3A_672 = arith.constant 5 : i32
        %add3A_673 = arith.addi %add3A_671, %add3A_672 : i32
        %sub3A = arith.constant 1 : i32
        %sub3A_674 = arith.subi %add3A_673, %sub3A : i32
        %dma_start3A_675 = arith.constant 4 : i32
        %dma_start3A_676 = arith.constant 4 : i32
        %dma_start3A_677 = arith.constant 0 : i32
        %dma_start3A_678 = arith.constant 0 : i32
        %dma_start3A_679 = tpu.memref_slice %arg6[%dma_start3A_675, %dma_start3A_677, %dma_start3A_678] : memref<8x8x1024xf32, #tpu.memory_space<vmem>> -> memref<1x8x1024xf32, #tpu.memory_space<vmem>>
        %dma_start3A_680 = tpu.memref_squeeze %dma_start3A_679 : memref<1x8x1024xf32, #tpu.memory_space<vmem>> -> memref<8x1024xf32, #tpu.memory_space<vmem>>
        %dma_start3A_681 = arith.constant 0 : i32
        %dma_start3A_682 = tpu.memref_slice %arg5[%sub3A_674, %dma_start3A_681] : memref<64x8xi32, #tpu.memory_space<vmem>> -> memref<1x8xi32, #tpu.memory_space<vmem>>
        %dma_start3A_683 = tpu.memref_squeeze %dma_start3A_682 : memref<1x8xi32, #tpu.memory_space<vmem>> -> memref<8xi32, #tpu.memory_space<vmem>>
        %dma_start3A_684 = arith.constant 0 : i32
        %dma_start3A_685 = arith.constant 0 : i32
        %dma_start3A_686 = tpu.memref_slice %arg3[%dma_start3A_684, %dma_start3A_685] : memref<100000x1024xf32, #tpu.memory_space<hbm>> -> memref<100000x1024xf32, #tpu.memory_space<hbm>>
        %dma_start3A_687 = tpu.memref_slice %arg7[%dma_start3A_676] : memref<8x!tpu.dma_semaphore, #tpu.memory_space<semaphore_mem>> -> memref<1x!tpu.dma_semaphore, #tpu.memory_space<semaphore_mem>>
        %dma_start3A_688 = tpu.memref_squeeze %dma_start3A_687 : memref<1x!tpu.dma_semaphore, #tpu.memory_space<semaphore_mem>> -> memref<!tpu.dma_semaphore, #tpu.memory_space<semaphore_mem>>
        tpu.enqueue_indirect_dma source(%dma_start3A_686 : memref<100000x1024xf32, #tpu.memory_space<hbm>>) target(%dma_start3A_680 : memref<8x1024xf32, #tpu.memory_space<vmem>>) offsets(%dma_start3A_683 : memref<8xi32, #tpu.memory_space<vmem>>) semaphore(%dma_start3A_688 : memref<!tpu.dma_semaphore, #tpu.memory_space<semaphore_mem>>)
      } else {
      }
      %dma_wait3A_551 = arith.constant 6 : i32
      %dma_wait3A_552 = arith.constant 6 : i32
      %dma_wait3A_553 = arith.constant 0 : i32
      %dma_wait3A_554 = arith.constant 0 : i32
      %dma_wait3A_555 = tpu.memref_slice %arg6[%dma_wait3A_551, %dma_wait3A_553, %dma_wait3A_554] : memref<8x8x1024xf32, #tpu.memory_space<vmem>> -> memref<1x8x1024xf32, #tpu.memory_space<vmem>>
      %dma_wait3A_556 = tpu.memref_squeeze %dma_wait3A_555 : memref<1x8x1024xf32, #tpu.memory_space<vmem>> -> memref<8x1024xf32, #tpu.memory_space<vmem>>
      %dma_wait3A_557 = arith.constant 0 : i32
      %dma_wait3A_558 = arith.constant 0 : i32
      %dma_wait3A_559 = tpu.memref_slice %arg4[%dma_wait3A_557, %dma_wait3A_558] : memref<16384x1024xf32, #tpu.memory_space<hbm>> -> memref<8x1024xf32, #tpu.memory_space<hbm>>
      %dma_wait3A_560 = tpu.memref_slice %arg7[%dma_wait3A_552] : memref<8x!tpu.dma_semaphore, #tpu.memory_space<semaphore_mem>> -> memref<1x!tpu.dma_semaphore, #tpu.memory_space<semaphore_mem>>
      %dma_wait3A_561 = tpu.memref_squeeze %dma_wait3A_560 : memref<1x!tpu.dma_semaphore, #tpu.memory_space<semaphore_mem>> -> memref<!tpu.dma_semaphore, #tpu.memory_space<semaphore_mem>>
      %dma_wait3A_562 = arith.constant 0 : i32
      %dma_wait3A_563 = arith.constant 0 : i32
      %dma_wait3A_564 = tpu.memref_slice %arg6[%dma_wait3A_551, %dma_wait3A_562, %dma_wait3A_563] : memref<8x8x1024xf32, #tpu.memory_space<vmem>> -> memref<1x8x1024xf32, #tpu.memory_space<vmem>>
      %dma_wait3A_565 = tpu.memref_squeeze %dma_wait3A_564 : memref<1x8x1024xf32, #tpu.memory_space<vmem>> -> memref<8x1024xf32, #tpu.memory_space<vmem>>
      %dma_wait3A_566 = arith.constant 0 : i32
      %dma_wait3A_567 = arith.constant 0 : i32
      %dma_wait3A_568 = tpu.memref_slice %arg4[%dma_wait3A_566, %dma_wait3A_567] : memref<16384x1024xf32, #tpu.memory_space<hbm>> -> memref<8x1024xf32, #tpu.memory_space<hbm>>
      tpu.wait_dma2 semaphore(%dma_wait3A_561 : memref<!tpu.dma_semaphore, #tpu.memory_space<semaphore_mem>>) src(%dma_wait3A_568 : memref<8x1024xf32, #tpu.memory_space<hbm>>) dst(%dma_wait3A_565 : memref<8x1024xf32, #tpu.memory_space<vmem>>)
      %parallel_loop3A_569 = arith.constant 0 : i32
      %parallel_loop3A_570 = arith.constant 8 : i32
      %parallel_loop3A_571 = arith.constant 1 : i32
      %parallel_loop3A_572 = arith.constant 6 : i32
      scf.for %parallel_loop3A_652 = %parallel_loop3A_569 to %parallel_loop3A_570 step %parallel_loop3A_571  : i32 {
        %parallel_loop3A_653 = arith.constant 0 : i32
        %parallel_loop3A_654 = arith.constant 64 : i32
        %parallel_loop3A_655 = arith.constant 1 : i32
        scf.for %parallel_loop3A_656 = %parallel_loop3A_653 to %parallel_loop3A_654 step %parallel_loop3A_655  : i32 {
          %parallel_loop3A_657 = arith.constant 16 : i32
          %parallel_loop3A_658 = arith.muli %parallel_loop3A_656, %parallel_loop3A_657 : i32
          %parallel_loop3A_659 = arith.constant 0 : i32
          %parallel_loop3A_660 = arith.constant 0 : i32
          %parallel_loop3A_661 = tpu.memref_slice %arg6[%parallel_loop3A_572, %parallel_loop3A_659, %parallel_loop3A_660] : memref<8x8x1024xf32, #tpu.memory_space<vmem>> -> memref<1x8x1024xf32, #tpu.memory_space<vmem>>
          %parallel_loop3A_662 = tpu.memref_squeeze %parallel_loop3A_661 : memref<1x8x1024xf32, #tpu.memory_space<vmem>> -> memref<8x1024xf32, #tpu.memory_space<vmem>>
          %parallel_loop3A_663 = arith.index_cast %parallel_loop3A_652 : i32 to index
          %parallel_loop3A_664 = arith.index_cast %parallel_loop3A_658 : i32 to index
          %parallel_loop3A_665 = tpu.vector_load %parallel_loop3A_662[%parallel_loop3A_663, %parallel_loop3A_664] {strides = array<i32>} : memref<8x1024xf32, #tpu.memory_space<vmem>>, vector<1x16xf32>,
          %parallel_loop3A_666 = vector.shape_cast %parallel_loop3A_665 : vector<1x16xf32> to vector<16xf32>
          %parallel_loop3A_667 = arith.constant 3.200000e+01 : f32
          %parallel_loop3A_668 = vector.broadcast %parallel_loop3A_667 : f32 to vector<16xf32>
          %parallel_loop3A_669 = arith.mulf %parallel_loop3A_666, %parallel_loop3A_668 : vector<16xf32>
          %parallel_loop3A_670 = arith.constant 0 : i32
          %parallel_loop3A_671 = arith.constant 0 : i32
          %parallel_loop3A_672 = tpu.memref_slice %arg6[%parallel_loop3A_572, %parallel_loop3A_670, %parallel_loop3A_671] : memref<8x8x1024xf32, #tpu.memory_space<vmem>> -> memref<1x8x1024xf32, #tpu.memory_space<vmem>>
          %parallel_loop3A_673 = tpu.memref_squeeze %parallel_loop3A_672 : memref<1x8x1024xf32, #tpu.memory_space<vmem>> -> memref<8x1024xf32, #tpu.memory_space<vmem>>
          %parallel_loop3A_674 = arith.index_cast %parallel_loop3A_652 : i32 to index
          %parallel_loop3A_675 = arith.index_cast %parallel_loop3A_658 : i32 to index
          %parallel_loop3A_676 = tpu.vector_load %parallel_loop3A_673[%parallel_loop3A_674, %parallel_loop3A_675] {strides = array<i32>} : memref<8x1024xf32, #tpu.memory_space<vmem>>, vector<1x16xf32>,
          %parallel_loop3A_677 = vector.shape_cast %parallel_loop3A_676 : vector<1x16xf32> to vector<16xf32>
          %parallel_loop3A_678 = vector.shape_cast %parallel_loop3A_669 : vector<16xf32> to vector<1x16xf32>
          tpu.vector_store %parallel_loop3A_673[%parallel_loop3A_674, %parallel_loop3A_675], %parallel_loop3A_678 {strides = array<i32>} : memref<8x1024xf32, #tpu.memory_space<vmem>>, vector<1x16xf32>,
        } {sc.loop_unroll_factor = 8 : i64, sc.parallel_access}
      } {sc.loop_unroll_factor = 1 : i64, sc.parallel_access}
      %add3A_573 = arith.constant 6 : i32
      %add3A_574 = arith.addi %mul3A_271, %add3A_573 : i32
      %mul3A_575 = arith.constant 8 : i32
      %mul3A_576 = arith.muli %add3A_574, %mul3A_575 : i32
      %add3A_577 = arith.addi %mul3A_2, %mul3A_576 : i32
      %dma_start3A_578 = arith.constant 6 : i32
      %dma_start3A_579 = arith.constant 6 : i32
      %dma_start3A_580 = arith.constant 0 : i32
      %dma_start3A_581 = arith.constant 0 : i32
      %dma_start3A_582 = tpu.memref_slice %arg6[%dma_start3A_578, %dma_start3A_580, %dma_start3A_581] : memref<8x8x1024xf32, #tpu.memory_space<vmem>> -> memref<1x8x1024xf32, #tpu.memory_space<vmem>>
      %dma_start3A_583 = tpu.memref_squeeze %dma_start3A_582 : memref<1x8x1024xf32, #tpu.memory_space<vmem>> -> memref<8x1024xf32, #tpu.memory_space<vmem>>
      %dma_start3A_584 = arith.constant 0 : i32
      %dma_start3A_585 = tpu.memref_slice %arg4[%add3A_577, %dma_start3A_584] : memref<16384x1024xf32, #tpu.memory_space<hbm>> -> memref<8x1024xf32, #tpu.memory_space<hbm>>
      %dma_start3A_586 = tpu.memref_slice %arg8[%dma_start3A_579] : memref<8x!tpu.dma_semaphore, #tpu.memory_space<semaphore_mem>> -> memref<1x!tpu.dma_semaphore, #tpu.memory_space<semaphore_mem>>
      %dma_start3A_587 = tpu.memref_squeeze %dma_start3A_586 : memref<1x!tpu.dma_semaphore, #tpu.memory_space<semaphore_mem>> -> memref<!tpu.dma_semaphore, #tpu.memory_space<semaphore_mem>>
      %dma_start3A_588 = arith.constant 0 : i32
      %dma_start3A_589 = tpu.memref_slice %arg4[%add3A_577, %dma_start3A_588] : memref<16384x1024xf32, #tpu.memory_space<hbm>> -> memref<8x1024xf32, #tpu.memory_space<hbm>>
      %dma_start3A_590 = arith.constant 0 : i32
      %dma_start3A_591 = arith.constant 0 : i32
      %dma_start3A_592 = tpu.memref_slice %arg6[%dma_start3A_578, %dma_start3A_590, %dma_start3A_591] : memref<8x8x1024xf32, #tpu.memory_space<vmem>> -> memref<1x8x1024xf32, #tpu.memory_space<vmem>>
      %dma_start3A_593 = tpu.memref_squeeze %dma_start3A_592 : memref<1x8x1024xf32, #tpu.memory_space<vmem>> -> memref<8x1024xf32, #tpu.memory_space<vmem>>
      tpu.enqueue_dma source(%dma_start3A_593 : memref<8x1024xf32, #tpu.memory_space<vmem>>) target(%dma_start3A_589 : memref<8x1024xf32, #tpu.memory_space<hbm>>) target_semaphore(%dma_start3A_587 : memref<!tpu.dma_semaphore, #tpu.memory_space<semaphore_mem>>)
      %lt3A_594 = arith.constant 7 : i32
      %lt3A_595 = arith.cmpi slt, %scan3A_269, %lt3A_594 : i32
      %convert_element_type3A_596 = arith.extui %lt3A_595 : i1 to i32
      %cond3A_597 = arith.constant 0 : i32
      %cond3A_598 = arith.cmpi ne, %convert_element_type3A_596, %cond3A_597 : i32
      scf.if %cond3A_598 {
        %dma_wait3A_652 = arith.constant 5 : i32
        %dma_wait3A_653 = arith.constant 5 : i32
        %dma_wait3A_654 = arith.constant 0 : i32
        %dma_wait3A_655 = arith.constant 0 : i32
        %dma_wait3A_656 = tpu.memref_slice %arg6[%dma_wait3A_652, %dma_wait3A_654, %dma_wait3A_655] : memref<8x8x1024xf32, #tpu.memory_space<vmem>> -> memref<1x8x1024xf32, #tpu.memory_space<vmem>>
        %dma_wait3A_657 = tpu.memref_squeeze %dma_wait3A_656 : memref<1x8x1024xf32, #tpu.memory_space<vmem>> -> memref<8x1024xf32, #tpu.memory_space<vmem>>
        %dma_wait3A_658 = arith.constant 0 : i32
        %dma_wait3A_659 = arith.constant 0 : i32
        %dma_wait3A_660 = tpu.memref_slice %arg4[%dma_wait3A_658, %dma_wait3A_659] : memref<16384x1024xf32, #tpu.memory_space<hbm>> -> memref<8x1024xf32, #tpu.memory_space<hbm>>
        %dma_wait3A_661 = tpu.memref_slice %arg8[%dma_wait3A_653] : memref<8x!tpu.dma_semaphore, #tpu.memory_space<semaphore_mem>> -> memref<1x!tpu.dma_semaphore, #tpu.memory_space<semaphore_mem>>
        %dma_wait3A_662 = tpu.memref_squeeze %dma_wait3A_661 : memref<1x!tpu.dma_semaphore, #tpu.memory_space<semaphore_mem>> -> memref<!tpu.dma_semaphore, #tpu.memory_space<semaphore_mem>>
        %dma_wait3A_663 = arith.constant 0 : i32
        %dma_wait3A_664 = arith.constant 0 : i32
        %dma_wait3A_665 = tpu.memref_slice %arg4[%dma_wait3A_663, %dma_wait3A_664] : memref<16384x1024xf32, #tpu.memory_space<hbm>> -> memref<8x1024xf32, #tpu.memory_space<hbm>>
        %dma_wait3A_666 = arith.constant 0 : i32
        %dma_wait3A_667 = arith.constant 0 : i32
        %dma_wait3A_668 = tpu.memref_slice %arg6[%dma_wait3A_652, %dma_wait3A_666, %dma_wait3A_667] : memref<8x8x1024xf32, #tpu.memory_space<vmem>> -> memref<1x8x1024xf32, #tpu.memory_space<vmem>>
        %dma_wait3A_669 = tpu.memref_squeeze %dma_wait3A_668 : memref<1x8x1024xf32, #tpu.memory_space<vmem>> -> memref<8x1024xf32, #tpu.memory_space<vmem>>
        tpu.wait_dma2 semaphore(%dma_wait3A_662 : memref<!tpu.dma_semaphore, #tpu.memory_space<semaphore_mem>>) src(%dma_wait3A_669 : memref<8x1024xf32, #tpu.memory_space<vmem>>) dst(%dma_wait3A_665 : memref<8x1024xf32, #tpu.memory_space<hbm>>)
        %add3A_670 = arith.constant 8 : i32
        %add3A_671 = arith.addi %mul3A_271, %add3A_670 : i32
        %add3A_672 = arith.constant 6 : i32
        %add3A_673 = arith.addi %add3A_671, %add3A_672 : i32
        %sub3A = arith.constant 1 : i32
        %sub3A_674 = arith.subi %add3A_673, %sub3A : i32
        %dma_start3A_675 = arith.constant 5 : i32
        %dma_start3A_676 = arith.constant 5 : i32
        %dma_start3A_677 = arith.constant 0 : i32
        %dma_start3A_678 = arith.constant 0 : i32
        %dma_start3A_679 = tpu.memref_slice %arg6[%dma_start3A_675, %dma_start3A_677, %dma_start3A_678] : memref<8x8x1024xf32, #tpu.memory_space<vmem>> -> memref<1x8x1024xf32, #tpu.memory_space<vmem>>
        %dma_start3A_680 = tpu.memref_squeeze %dma_start3A_679 : memref<1x8x1024xf32, #tpu.memory_space<vmem>> -> memref<8x1024xf32, #tpu.memory_space<vmem>>
        %dma_start3A_681 = arith.constant 0 : i32
        %dma_start3A_682 = tpu.memref_slice %arg5[%sub3A_674, %dma_start3A_681] : memref<64x8xi32, #tpu.memory_space<vmem>> -> memref<1x8xi32, #tpu.memory_space<vmem>>
        %dma_start3A_683 = tpu.memref_squeeze %dma_start3A_682 : memref<1x8xi32, #tpu.memory_space<vmem>> -> memref<8xi32, #tpu.memory_space<vmem>>
        %dma_start3A_684 = arith.constant 0 : i32
        %dma_start3A_685 = arith.constant 0 : i32
        %dma_start3A_686 = tpu.memref_slice %arg3[%dma_start3A_684, %dma_start3A_685] : memref<100000x1024xf32, #tpu.memory_space<hbm>> -> memref<100000x1024xf32, #tpu.memory_space<hbm>>
        %dma_start3A_687 = tpu.memref_slice %arg7[%dma_start3A_676] : memref<8x!tpu.dma_semaphore, #tpu.memory_space<semaphore_mem>> -> memref<1x!tpu.dma_semaphore, #tpu.memory_space<semaphore_mem>>
        %dma_start3A_688 = tpu.memref_squeeze %dma_start3A_687 : memref<1x!tpu.dma_semaphore, #tpu.memory_space<semaphore_mem>> -> memref<!tpu.dma_semaphore, #tpu.memory_space<semaphore_mem>>
        tpu.enqueue_indirect_dma source(%dma_start3A_686 : memref<100000x1024xf32, #tpu.memory_space<hbm>>) target(%dma_start3A_680 : memref<8x1024xf32, #tpu.memory_space<vmem>>) offsets(%dma_start3A_683 : memref<8xi32, #tpu.memory_space<vmem>>) semaphore(%dma_start3A_688 : memref<!tpu.dma_semaphore, #tpu.memory_space<semaphore_mem>>)
      } else {
      }
      %dma_wait3A_599 = arith.constant 7 : i32
      %dma_wait3A_600 = arith.constant 7 : i32
      %dma_wait3A_601 = arith.constant 0 : i32
      %dma_wait3A_602 = arith.constant 0 : i32
      %dma_wait3A_603 = tpu.memref_slice %arg6[%dma_wait3A_599, %dma_wait3A_601, %dma_wait3A_602] : memref<8x8x1024xf32, #tpu.memory_space<vmem>> -> memref<1x8x1024xf32, #tpu.memory_space<vmem>>
      %dma_wait3A_604 = tpu.memref_squeeze %dma_wait3A_603 : memref<1x8x1024xf32, #tpu.memory_space<vmem>> -> memref<8x1024xf32, #tpu.memory_space<vmem>>
      %dma_wait3A_605 = arith.constant 0 : i32
      %dma_wait3A_606 = arith.constant 0 : i32
      %dma_wait3A_607 = tpu.memref_slice %arg4[%dma_wait3A_605, %dma_wait3A_606] : memref<16384x1024xf32, #tpu.memory_space<hbm>> -> memref<8x1024xf32, #tpu.memory_space<hbm>>
      %dma_wait3A_608 = tpu.memref_slice %arg7[%dma_wait3A_600] : memref<8x!tpu.dma_semaphore, #tpu.memory_space<semaphore_mem>> -> memref<1x!tpu.dma_semaphore, #tpu.memory_space<semaphore_mem>>
      %dma_wait3A_609 = tpu.memref_squeeze %dma_wait3A_608 : memref<1x!tpu.dma_semaphore, #tpu.memory_space<semaphore_mem>> -> memref<!tpu.dma_semaphore, #tpu.memory_space<semaphore_mem>>
      %dma_wait3A_610 = arith.constant 0 : i32
      %dma_wait3A_611 = arith.constant 0 : i32
      %dma_wait3A_612 = tpu.memref_slice %arg6[%dma_wait3A_599, %dma_wait3A_610, %dma_wait3A_611] : memref<8x8x1024xf32, #tpu.memory_space<vmem>> -> memref<1x8x1024xf32, #tpu.memory_space<vmem>>
      %dma_wait3A_613 = tpu.memref_squeeze %dma_wait3A_612 : memref<1x8x1024xf32, #tpu.memory_space<vmem>> -> memref<8x1024xf32, #tpu.memory_space<vmem>>
      %dma_wait3A_614 = arith.constant 0 : i32
      %dma_wait3A_615 = arith.constant 0 : i32
      %dma_wait3A_616 = tpu.memref_slice %arg4[%dma_wait3A_614, %dma_wait3A_615] : memref<16384x1024xf32, #tpu.memory_space<hbm>> -> memref<8x1024xf32, #tpu.memory_space<hbm>>
      tpu.wait_dma2 semaphore(%dma_wait3A_609 : memref<!tpu.dma_semaphore, #tpu.memory_space<semaphore_mem>>) src(%dma_wait3A_616 : memref<8x1024xf32, #tpu.memory_space<hbm>>) dst(%dma_wait3A_613 : memref<8x1024xf32, #tpu.memory_space<vmem>>)
      %parallel_loop3A_617 = arith.constant 0 : i32
      %parallel_loop3A_618 = arith.constant 8 : i32
      %parallel_loop3A_619 = arith.constant 1 : i32
      %parallel_loop3A_620 = arith.constant 7 : i32
      scf.for %parallel_loop3A_652 = %parallel_loop3A_617 to %parallel_loop3A_618 step %parallel_loop3A_619  : i32 {
        %parallel_loop3A_653 = arith.constant 0 : i32
        %parallel_loop3A_654 = arith.constant 64 : i32
        %parallel_loop3A_655 = arith.constant 1 : i32
        scf.for %parallel_loop3A_656 = %parallel_loop3A_653 to %parallel_loop3A_654 step %parallel_loop3A_655  : i32 {
          %parallel_loop3A_657 = arith.constant 16 : i32
          %parallel_loop3A_658 = arith.muli %parallel_loop3A_656, %parallel_loop3A_657 : i32
          %parallel_loop3A_659 = arith.constant 0 : i32
          %parallel_loop3A_660 = arith.constant 0 : i32
          %parallel_loop3A_661 = tpu.memref_slice %arg6[%parallel_loop3A_620, %parallel_loop3A_659, %parallel_loop3A_660] : memref<8x8x1024xf32, #tpu.memory_space<vmem>> -> memref<1x8x1024xf32, #tpu.memory_space<vmem>>
          %parallel_loop3A_662 = tpu.memref_squeeze %parallel_loop3A_661 : memref<1x8x1024xf32, #tpu.memory_space<vmem>> -> memref<8x1024xf32, #tpu.memory_space<vmem>>
          %parallel_loop3A_663 = arith.index_cast %parallel_loop3A_652 : i32 to index
          %parallel_loop3A_664 = arith.index_cast %parallel_loop3A_658 : i32 to index
          %parallel_loop3A_665 = tpu.vector_load %parallel_loop3A_662[%parallel_loop3A_663, %parallel_loop3A_664] {strides = array<i32>} : memref<8x1024xf32, #tpu.memory_space<vmem>>, vector<1x16xf32>,
          %parallel_loop3A_666 = vector.shape_cast %parallel_loop3A_665 : vector<1x16xf32> to vector<16xf32>
          %parallel_loop3A_667 = arith.constant 3.200000e+01 : f32
          %parallel_loop3A_668 = vector.broadcast %parallel_loop3A_667 : f32 to vector<16xf32>
          %parallel_loop3A_669 = arith.mulf %parallel_loop3A_666, %parallel_loop3A_668 : vector<16xf32>
          %parallel_loop3A_670 = arith.constant 0 : i32
          %parallel_loop3A_671 = arith.constant 0 : i32
          %parallel_loop3A_672 = tpu.memref_slice %arg6[%parallel_loop3A_620, %parallel_loop3A_670, %parallel_loop3A_671] : memref<8x8x1024xf32, #tpu.memory_space<vmem>> -> memref<1x8x1024xf32, #tpu.memory_space<vmem>>
          %parallel_loop3A_673 = tpu.memref_squeeze %parallel_loop3A_672 : memref<1x8x1024xf32, #tpu.memory_space<vmem>> -> memref<8x1024xf32, #tpu.memory_space<vmem>>
          %parallel_loop3A_674 = arith.index_cast %parallel_loop3A_652 : i32 to index
          %parallel_loop3A_675 = arith.index_cast %parallel_loop3A_658 : i32 to index
          %parallel_loop3A_676 = tpu.vector_load %parallel_loop3A_673[%parallel_loop3A_674, %parallel_loop3A_675] {strides = array<i32>} : memref<8x1024xf32, #tpu.memory_space<vmem>>, vector<1x16xf32>,
          %parallel_loop3A_677 = vector.shape_cast %parallel_loop3A_676 : vector<1x16xf32> to vector<16xf32>
          %parallel_loop3A_678 = vector.shape_cast %parallel_loop3A_669 : vector<16xf32> to vector<1x16xf32>
          tpu.vector_store %parallel_loop3A_673[%parallel_loop3A_674, %parallel_loop3A_675], %parallel_loop3A_678 {strides = array<i32>} : memref<8x1024xf32, #tpu.memory_space<vmem>>, vector<1x16xf32>,
        } {sc.loop_unroll_factor = 8 : i64, sc.parallel_access}
      } {sc.loop_unroll_factor = 1 : i64, sc.parallel_access}
      %add3A_621 = arith.constant 7 : i32
      %add3A_622 = arith.addi %mul3A_271, %add3A_621 : i32
      %mul3A_623 = arith.constant 8 : i32
      %mul3A_624 = arith.muli %add3A_622, %mul3A_623 : i32
      %add3A_625 = arith.addi %mul3A_2, %mul3A_624 : i32
      %dma_start3A_626 = arith.constant 7 : i32
      %dma_start3A_627 = arith.constant 7 : i32
      %dma_start3A_628 = arith.constant 0 : i32
      %dma_start3A_629 = arith.constant 0 : i32
      %dma_start3A_630 = tpu.memref_slice %arg6[%dma_start3A_626, %dma_start3A_628, %dma_start3A_629] : memref<8x8x1024xf32, #tpu.memory_space<vmem>> -> memref<1x8x1024xf32, #tpu.memory_space<vmem>>
      %dma_start3A_631 = tpu.memref_squeeze %dma_start3A_630 : memref<1x8x1024xf32, #tpu.memory_space<vmem>> -> memref<8x1024xf32, #tpu.memory_space<vmem>>
      %dma_start3A_632 = arith.constant 0 : i32
      %dma_start3A_633 = tpu.memref_slice %arg4[%add3A_625, %dma_start3A_632] : memref<16384x1024xf32, #tpu.memory_space<hbm>> -> memref<8x1024xf32, #tpu.memory_space<hbm>>
      %dma_start3A_634 = tpu.memref_slice %arg8[%dma_start3A_627] : memref<8x!tpu.dma_semaphore, #tpu.memory_space<semaphore_mem>> -> memref<1x!tpu.dma_semaphore, #tpu.memory_space<semaphore_mem>>
      %dma_start3A_635 = tpu.memref_squeeze %dma_start3A_634 : memref<1x!tpu.dma_semaphore, #tpu.memory_space<semaphore_mem>> -> memref<!tpu.dma_semaphore, #tpu.memory_space<semaphore_mem>>
      %dma_start3A_636 = arith.constant 0 : i32
      %dma_start3A_637 = tpu.memref_slice %arg4[%add3A_625, %dma_start3A_636] : memref<16384x1024xf32, #tpu.memory_space<hbm>> -> memref<8x1024xf32, #tpu.memory_space<hbm>>
      %dma_start3A_638 = arith.constant 0 : i32
      %dma_start3A_639 = arith.constant 0 : i32
      %dma_start3A_640 = tpu.memref_slice %arg6[%dma_start3A_626, %dma_start3A_638, %dma_start3A_639] : memref<8x8x1024xf32, #tpu.memory_space<vmem>> -> memref<1x8x1024xf32, #tpu.memory_space<vmem>>
      %dma_start3A_641 = tpu.memref_squeeze %dma_start3A_640 : memref<1x8x1024xf32, #tpu.memory_space<vmem>> -> memref<8x1024xf32, #tpu.memory_space<vmem>>
      tpu.enqueue_dma source(%dma_start3A_641 : memref<8x1024xf32, #tpu.memory_space<vmem>>) target(%dma_start3A_637 : memref<8x1024xf32, #tpu.memory_space<hbm>>) target_semaphore(%dma_start3A_635 : memref<!tpu.dma_semaphore, #tpu.memory_space<semaphore_mem>>)
      %lt3A_642 = arith.constant 7 : i32
      %lt3A_643 = arith.cmpi slt, %scan3A_269, %lt3A_642 : i32
      %convert_element_type3A_644 = arith.extui %lt3A_643 : i1 to i32
      %cond3A_645 = arith.constant 0 : i32
      %cond3A_646 = arith.cmpi ne, %convert_element_type3A_644, %cond3A_645 : i32
      scf.if %cond3A_646 {
        %dma_wait3A_652 = arith.constant 6 : i32
        %dma_wait3A_653 = arith.constant 6 : i32
        %dma_wait3A_654 = arith.constant 0 : i32
        %dma_wait3A_655 = arith.constant 0 : i32
        %dma_wait3A_656 = tpu.memref_slice %arg6[%dma_wait3A_652, %dma_wait3A_654, %dma_wait3A_655] : memref<8x8x1024xf32, #tpu.memory_space<vmem>> -> memref<1x8x1024xf32, #tpu.memory_space<vmem>>
        %dma_wait3A_657 = tpu.memref_squeeze %dma_wait3A_656 : memref<1x8x1024xf32, #tpu.memory_space<vmem>> -> memref<8x1024xf32, #tpu.memory_space<vmem>>
        %dma_wait3A_658 = arith.constant 0 : i32
        %dma_wait3A_659 = arith.constant 0 : i32
        %dma_wait3A_660 = tpu.memref_slice %arg4[%dma_wait3A_658, %dma_wait3A_659] : memref<16384x1024xf32, #tpu.memory_space<hbm>> -> memref<8x1024xf32, #tpu.memory_space<hbm>>
        %dma_wait3A_661 = tpu.memref_slice %arg8[%dma_wait3A_653] : memref<8x!tpu.dma_semaphore, #tpu.memory_space<semaphore_mem>> -> memref<1x!tpu.dma_semaphore, #tpu.memory_space<semaphore_mem>>
        %dma_wait3A_662 = tpu.memref_squeeze %dma_wait3A_661 : memref<1x!tpu.dma_semaphore, #tpu.memory_space<semaphore_mem>> -> memref<!tpu.dma_semaphore, #tpu.memory_space<semaphore_mem>>
        %dma_wait3A_663 = arith.constant 0 : i32
        %dma_wait3A_664 = arith.constant 0 : i32
        %dma_wait3A_665 = tpu.memref_slice %arg4[%dma_wait3A_663, %dma_wait3A_664] : memref<16384x1024xf32, #tpu.memory_space<hbm>> -> memref<8x1024xf32, #tpu.memory_space<hbm>>
        %dma_wait3A_666 = arith.constant 0 : i32
        %dma_wait3A_667 = arith.constant 0 : i32
        %dma_wait3A_668 = tpu.memref_slice %arg6[%dma_wait3A_652, %dma_wait3A_666, %dma_wait3A_667] : memref<8x8x1024xf32, #tpu.memory_space<vmem>> -> memref<1x8x1024xf32, #tpu.memory_space<vmem>>
        %dma_wait3A_669 = tpu.memref_squeeze %dma_wait3A_668 : memref<1x8x1024xf32, #tpu.memory_space<vmem>> -> memref<8x1024xf32, #tpu.memory_space<vmem>>
        tpu.wait_dma2 semaphore(%dma_wait3A_662 : memref<!tpu.dma_semaphore, #tpu.memory_space<semaphore_mem>>) src(%dma_wait3A_669 : memref<8x1024xf32, #tpu.memory_space<vmem>>) dst(%dma_wait3A_665 : memref<8x1024xf32, #tpu.memory_space<hbm>>)
        %add3A_670 = arith.constant 8 : i32
        %add3A_671 = arith.addi %mul3A_271, %add3A_670 : i32
        %add3A_672 = arith.constant 7 : i32
        %add3A_673 = arith.addi %add3A_671, %add3A_672 : i32
        %sub3A = arith.constant 1 : i32
        %sub3A_674 = arith.subi %add3A_673, %sub3A : i32
        %dma_start3A_675 = arith.constant 6 : i32
        %dma_start3A_676 = arith.constant 6 : i32
        %dma_start3A_677 = arith.constant 0 : i32
        %dma_start3A_678 = arith.constant 0 : i32
        %dma_start3A_679 = tpu.memref_slice %arg6[%dma_start3A_675, %dma_start3A_677, %dma_start3A_678] : memref<8x8x1024xf32, #tpu.memory_space<vmem>> -> memref<1x8x1024xf32, #tpu.memory_space<vmem>>
        %dma_start3A_680 = tpu.memref_squeeze %dma_start3A_679 : memref<1x8x1024xf32, #tpu.memory_space<vmem>> -> memref<8x1024xf32, #tpu.memory_space<vmem>>
        %dma_start3A_681 = arith.constant 0 : i32
        %dma_start3A_682 = tpu.memref_slice %arg5[%sub3A_674, %dma_start3A_681] : memref<64x8xi32, #tpu.memory_space<vmem>> -> memref<1x8xi32, #tpu.memory_space<vmem>>
        %dma_start3A_683 = tpu.memref_squeeze %dma_start3A_682 : memref<1x8xi32, #tpu.memory_space<vmem>> -> memref<8xi32, #tpu.memory_space<vmem>>
        %dma_start3A_684 = arith.constant 0 : i32
        %dma_start3A_685 = arith.constant 0 : i32
        %dma_start3A_686 = tpu.memref_slice %arg3[%dma_start3A_684, %dma_start3A_685] : memref<100000x1024xf32, #tpu.memory_space<hbm>> -> memref<100000x1024xf32, #tpu.memory_space<hbm>>
        %dma_start3A_687 = tpu.memref_slice %arg7[%dma_start3A_676] : memref<8x!tpu.dma_semaphore, #tpu.memory_space<semaphore_mem>> -> memref<1x!tpu.dma_semaphore, #tpu.memory_space<semaphore_mem>>
        %dma_start3A_688 = tpu.memref_squeeze %dma_start3A_687 : memref<1x!tpu.dma_semaphore, #tpu.memory_space<semaphore_mem>> -> memref<!tpu.dma_semaphore, #tpu.memory_space<semaphore_mem>>
        tpu.enqueue_indirect_dma source(%dma_start3A_686 : memref<100000x1024xf32, #tpu.memory_space<hbm>>) target(%dma_start3A_680 : memref<8x1024xf32, #tpu.memory_space<vmem>>) offsets(%dma_start3A_683 : memref<8xi32, #tpu.memory_space<vmem>>) semaphore(%dma_start3A_688 : memref<!tpu.dma_semaphore, #tpu.memory_space<semaphore_mem>>)
      } else {
      }
      %lt3A_647 = arith.constant 7 : i32
      %lt3A_648 = arith.cmpi slt, %scan3A_269, %lt3A_647 : i32
      %convert_element_type3A_649 = arith.extui %lt3A_648 : i1 to i32
      %cond3A_650 = arith.constant 0 : i32
      %cond3A_651 = arith.cmpi ne, %convert_element_type3A_649, %cond3A_650 : i32
      scf.if %cond3A_651 {
        %dma_wait3A_652 = arith.constant 7 : i32
        %dma_wait3A_653 = arith.constant 7 : i32
        %dma_wait3A_654 = arith.constant 0 : i32
        %dma_wait3A_655 = arith.constant 0 : i32
        %dma_wait3A_656 = tpu.memref_slice %arg6[%dma_wait3A_652, %dma_wait3A_654, %dma_wait3A_655] : memref<8x8x1024xf32, #tpu.memory_space<vmem>> -> memref<1x8x1024xf32, #tpu.memory_space<vmem>>
        %dma_wait3A_657 = tpu.memref_squeeze %dma_wait3A_656 : memref<1x8x1024xf32, #tpu.memory_space<vmem>> -> memref<8x1024xf32, #tpu.memory_space<vmem>>
        %dma_wait3A_658 = arith.constant 0 : i32
        %dma_wait3A_659 = arith.constant 0 : i32
        %dma_wait3A_660 = tpu.memref_slice %arg4[%dma_wait3A_658, %dma_wait3A_659] : memref<16384x1024xf32, #tpu.memory_space<hbm>> -> memref<8x1024xf32, #tpu.memory_space<hbm>>
        %dma_wait3A_661 = tpu.memref_slice %arg8[%dma_wait3A_653] : memref<8x!tpu.dma_semaphore, #tpu.memory_space<semaphore_mem>> -> memref<1x!tpu.dma_semaphore, #tpu.memory_space<semaphore_mem>>
        %dma_wait3A_662 = tpu.memref_squeeze %dma_wait3A_661 : memref<1x!tpu.dma_semaphore, #tpu.memory_space<semaphore_mem>> -> memref<!tpu.dma_semaphore, #tpu.memory_space<semaphore_mem>>
        %dma_wait3A_663 = arith.constant 0 : i32
        %dma_wait3A_664 = arith.constant 0 : i32
        %dma_wait3A_665 = tpu.memref_slice %arg4[%dma_wait3A_663, %dma_wait3A_664] : memref<16384x1024xf32, #tpu.memory_space<hbm>> -> memref<8x1024xf32, #tpu.memory_space<hbm>>
        %dma_wait3A_666 = arith.constant 0 : i32
        %dma_wait3A_667 = arith.constant 0 : i32
        %dma_wait3A_668 = tpu.memref_slice %arg6[%dma_wait3A_652, %dma_wait3A_666, %dma_wait3A_667] : memref<8x8x1024xf32, #tpu.memory_space<vmem>> -> memref<1x8x1024xf32, #tpu.memory_space<vmem>>
        %dma_wait3A_669 = tpu.memref_squeeze %dma_wait3A_668 : memref<1x8x1024xf32, #tpu.memory_space<vmem>> -> memref<8x1024xf32, #tpu.memory_space<vmem>>
        tpu.wait_dma2 semaphore(%dma_wait3A_662 : memref<!tpu.dma_semaphore, #tpu.memory_space<semaphore_mem>>) src(%dma_wait3A_669 : memref<8x1024xf32, #tpu.memory_space<vmem>>) dst(%dma_wait3A_665 : memref<8x1024xf32, #tpu.memory_space<hbm>>)
        %add3A_670 = arith.constant 16 : i32
        %add3A_671 = arith.addi %mul3A_271, %add3A_670 : i32
        %sub3A = arith.constant 1 : i32
        %sub3A_672 = arith.subi %add3A_671, %sub3A : i32
        %dma_start3A_673 = arith.constant 7 : i32
        %dma_start3A_674 = arith.constant 7 : i32
        %dma_start3A_675 = arith.constant 0 : i32
        %dma_start3A_676 = arith.constant 0 : i32
        %dma_start3A_677 = tpu.memref_slice %arg6[%dma_start3A_673, %dma_start3A_675, %dma_start3A_676] : memref<8x8x1024xf32, #tpu.memory_space<vmem>> -> memref<1x8x1024xf32, #tpu.memory_space<vmem>>
        %dma_start3A_678 = tpu.memref_squeeze %dma_start3A_677 : memref<1x8x1024xf32, #tpu.memory_space<vmem>> -> memref<8x1024xf32, #tpu.memory_space<vmem>>
        %dma_start3A_679 = arith.constant 0 : i32
        %dma_start3A_680 = tpu.memref_slice %arg5[%sub3A_672, %dma_start3A_679] : memref<64x8xi32, #tpu.memory_space<vmem>> -> memref<1x8xi32, #tpu.memory_space<vmem>>
        %dma_start3A_681 = tpu.memref_squeeze %dma_start3A_680 : memref<1x8xi32, #tpu.memory_space<vmem>> -> memref<8xi32, #tpu.memory_space<vmem>>
        %dma_start3A_682 = arith.constant 0 : i32
        %dma_start3A_683 = arith.constant 0 : i32
        %dma_start3A_684 = tpu.memref_slice %arg3[%dma_start3A_682, %dma_start3A_683] : memref<100000x1024xf32, #tpu.memory_space<hbm>> -> memref<100000x1024xf32, #tpu.memory_space<hbm>>
        %dma_start3A_685 = tpu.memref_slice %arg7[%dma_start3A_674] : memref<8x!tpu.dma_semaphore, #tpu.memory_space<semaphore_mem>> -> memref<1x!tpu.dma_semaphore, #tpu.memory_space<semaphore_mem>>
        %dma_start3A_686 = tpu.memref_squeeze %dma_start3A_685 : memref<1x!tpu.dma_semaphore, #tpu.memory_space<semaphore_mem>> -> memref<!tpu.dma_semaphore, #tpu.memory_space<semaphore_mem>>
        tpu.enqueue_indirect_dma source(%dma_start3A_684 : memref<100000x1024xf32, #tpu.memory_space<hbm>>) target(%dma_start3A_678 : memref<8x1024xf32, #tpu.memory_space<vmem>>) offsets(%dma_start3A_681 : memref<8xi32, #tpu.memory_space<vmem>>) semaphore(%dma_start3A_686 : memref<!tpu.dma_semaphore, #tpu.memory_space<semaphore_mem>>)
      } else {
      }
    }
    %scan3A_125 = arith.constant 8 : i32
    %dma_wait3A = arith.constant 0 : i32
    %dma_wait3A_126 = arith.constant 0 : i32
    %dma_wait3A_127 = arith.constant 0 : i32
    %dma_wait3A_128 = arith.constant 0 : i32
    %dma_wait3A_129 = tpu.memref_slice %arg6[%dma_wait3A, %dma_wait3A_127, %dma_wait3A_128] : memref<8x8x1024xf32, #tpu.memory_space<vmem>> -> memref<1x8x1024xf32, #tpu.memory_space<vmem>>
    %dma_wait3A_130 = tpu.memref_squeeze %dma_wait3A_129 : memref<1x8x1024xf32, #tpu.memory_space<vmem>> -> memref<8x1024xf32, #tpu.memory_space<vmem>>
    %dma_wait3A_131 = arith.constant 0 : i32
    %dma_wait3A_132 = arith.constant 0 : i32
    %dma_wait3A_133 = tpu.memref_slice %arg4[%dma_wait3A_131, %dma_wait3A_132] : memref<16384x1024xf32, #tpu.memory_space<hbm>> -> memref<8x1024xf32, #tpu.memory_space<hbm>>
    %dma_wait3A_134 = tpu.memref_slice %arg8[%dma_wait3A_126] : memref<8x!tpu.dma_semaphore, #tpu.memory_space<semaphore_mem>> -> memref<1x!tpu.dma_semaphore, #tpu.memory_space<semaphore_mem>>
    %dma_wait3A_135 = tpu.memref_squeeze %dma_wait3A_134 : memref<1x!tpu.dma_semaphore, #tpu.memory_space<semaphore_mem>> -> memref<!tpu.dma_semaphore, #tpu.memory_space<semaphore_mem>>
    %dma_wait3A_136 = arith.constant 0 : i32
    %dma_wait3A_137 = arith.constant 0 : i32
    %dma_wait3A_138 = tpu.memref_slice %arg4[%dma_wait3A_136, %dma_wait3A_137] : memref<16384x1024xf32, #tpu.memory_space<hbm>> -> memref<8x1024xf32, #tpu.memory_space<hbm>>
    %dma_wait3A_139 = arith.constant 0 : i32
    %dma_wait3A_140 = arith.constant 0 : i32
    %dma_wait3A_141 = tpu.memref_slice %arg6[%dma_wait3A, %dma_wait3A_139, %dma_wait3A_140] : memref<8x8x1024xf32, #tpu.memory_space<vmem>> -> memref<1x8x1024xf32, #tpu.memory_space<vmem>>
    %dma_wait3A_142 = tpu.memref_squeeze %dma_wait3A_141 : memref<1x8x1024xf32, #tpu.memory_space<vmem>> -> memref<8x1024xf32, #tpu.memory_space<vmem>>
    tpu.wait_dma2 semaphore(%dma_wait3A_135 : memref<!tpu.dma_semaphore, #tpu.memory_space<semaphore_mem>>) src(%dma_wait3A_142 : memref<8x1024xf32, #tpu.memory_space<vmem>>) dst(%dma_wait3A_138 : memref<8x1024xf32, #tpu.memory_space<hbm>>)
    %dma_wait3A_143 = arith.constant 1 : i32
    %dma_wait3A_144 = arith.constant 1 : i32
    %dma_wait3A_145 = arith.constant 0 : i32
    %dma_wait3A_146 = arith.constant 0 : i32
    %dma_wait3A_147 = tpu.memref_slice %arg6[%dma_wait3A_143, %dma_wait3A_145, %dma_wait3A_146] : memref<8x8x1024xf32, #tpu.memory_space<vmem>> -> memref<1x8x1024xf32, #tpu.memory_space<vmem>>
    %dma_wait3A_148 = tpu.memref_squeeze %dma_wait3A_147 : memref<1x8x1024xf32, #tpu.memory_space<vmem>> -> memref<8x1024xf32, #tpu.memory_space<vmem>>
    %dma_wait3A_149 = arith.constant 0 : i32
    %dma_wait3A_150 = arith.constant 0 : i32
    %dma_wait3A_151 = tpu.memref_slice %arg4[%dma_wait3A_149, %dma_wait3A_150] : memref<16384x1024xf32, #tpu.memory_space<hbm>> -> memref<8x1024xf32, #tpu.memory_space<hbm>>
    %dma_wait3A_152 = tpu.memref_slice %arg8[%dma_wait3A_144] : memref<8x!tpu.dma_semaphore, #tpu.memory_space<semaphore_mem>> -> memref<1x!tpu.dma_semaphore, #tpu.memory_space<semaphore_mem>>
    %dma_wait3A_153 = tpu.memref_squeeze %dma_wait3A_152 : memref<1x!tpu.dma_semaphore, #tpu.memory_space<semaphore_mem>> -> memref<!tpu.dma_semaphore, #tpu.memory_space<semaphore_mem>>
    %dma_wait3A_154 = arith.constant 0 : i32
    %dma_wait3A_155 = arith.constant 0 : i32
    %dma_wait3A_156 = tpu.memref_slice %arg4[%dma_wait3A_154, %dma_wait3A_155] : memref<16384x1024xf32, #tpu.memory_space<hbm>> -> memref<8x1024xf32, #tpu.memory_space<hbm>>
    %dma_wait3A_157 = arith.constant 0 : i32
    %dma_wait3A_158 = arith.constant 0 : i32
    %dma_wait3A_159 = tpu.memref_slice %arg6[%dma_wait3A_143, %dma_wait3A_157, %dma_wait3A_158] : memref<8x8x1024xf32, #tpu.memory_space<vmem>> -> memref<1x8x1024xf32, #tpu.memory_space<vmem>>
    %dma_wait3A_160 = tpu.memref_squeeze %dma_wait3A_159 : memref<1x8x1024xf32, #tpu.memory_space<vmem>> -> memref<8x1024xf32, #tpu.memory_space<vmem>>
    tpu.wait_dma2 semaphore(%dma_wait3A_153 : memref<!tpu.dma_semaphore, #tpu.memory_space<semaphore_mem>>) src(%dma_wait3A_160 : memref<8x1024xf32, #tpu.memory_space<vmem>>) dst(%dma_wait3A_156 : memref<8x1024xf32, #tpu.memory_space<hbm>>)
    %dma_wait3A_161 = arith.constant 2 : i32
    %dma_wait3A_162 = arith.constant 2 : i32
    %dma_wait3A_163 = arith.constant 0 : i32
    %dma_wait3A_164 = arith.constant 0 : i32
    %dma_wait3A_165 = tpu.memref_slice %arg6[%dma_wait3A_161, %dma_wait3A_163, %dma_wait3A_164] : memref<8x8x1024xf32, #tpu.memory_space<vmem>> -> memref<1x8x1024xf32, #tpu.memory_space<vmem>>
    %dma_wait3A_166 = tpu.memref_squeeze %dma_wait3A_165 : memref<1x8x1024xf32, #tpu.memory_space<vmem>> -> memref<8x1024xf32, #tpu.memory_space<vmem>>
    %dma_wait3A_167 = arith.constant 0 : i32
    %dma_wait3A_168 = arith.constant 0 : i32
    %dma_wait3A_169 = tpu.memref_slice %arg4[%dma_wait3A_167, %dma_wait3A_168] : memref<16384x1024xf32, #tpu.memory_space<hbm>> -> memref<8x1024xf32, #tpu.memory_space<hbm>>
    %dma_wait3A_170 = tpu.memref_slice %arg8[%dma_wait3A_162] : memref<8x!tpu.dma_semaphore, #tpu.memory_space<semaphore_mem>> -> memref<1x!tpu.dma_semaphore, #tpu.memory_space<semaphore_mem>>
    %dma_wait3A_171 = tpu.memref_squeeze %dma_wait3A_170 : memref<1x!tpu.dma_semaphore, #tpu.memory_space<semaphore_mem>> -> memref<!tpu.dma_semaphore, #tpu.memory_space<semaphore_mem>>
    %dma_wait3A_172 = arith.constant 0 : i32
    %dma_wait3A_173 = arith.constant 0 : i32
    %dma_wait3A_174 = tpu.memref_slice %arg4[%dma_wait3A_172, %dma_wait3A_173] : memref<16384x1024xf32, #tpu.memory_space<hbm>> -> memref<8x1024xf32, #tpu.memory_space<hbm>>
    %dma_wait3A_175 = arith.constant 0 : i32
    %dma_wait3A_176 = arith.constant 0 : i32
    %dma_wait3A_177 = tpu.memref_slice %arg6[%dma_wait3A_161, %dma_wait3A_175, %dma_wait3A_176] : memref<8x8x1024xf32, #tpu.memory_space<vmem>> -> memref<1x8x1024xf32, #tpu.memory_space<vmem>>
    %dma_wait3A_178 = tpu.memref_squeeze %dma_wait3A_177 : memref<1x8x1024xf32, #tpu.memory_space<vmem>> -> memref<8x1024xf32, #tpu.memory_space<vmem>>
    tpu.wait_dma2 semaphore(%dma_wait3A_171 : memref<!tpu.dma_semaphore, #tpu.memory_space<semaphore_mem>>) src(%dma_wait3A_178 : memref<8x1024xf32, #tpu.memory_space<vmem>>) dst(%dma_wait3A_174 : memref<8x1024xf32, #tpu.memory_space<hbm>>)
    %dma_wait3A_179 = arith.constant 3 : i32
    %dma_wait3A_180 = arith.constant 3 : i32
    %dma_wait3A_181 = arith.constant 0 : i32
    %dma_wait3A_182 = arith.constant 0 : i32
    %dma_wait3A_183 = tpu.memref_slice %arg6[%dma_wait3A_179, %dma_wait3A_181, %dma_wait3A_182] : memref<8x8x1024xf32, #tpu.memory_space<vmem>> -> memref<1x8x1024xf32, #tpu.memory_space<vmem>>
    %dma_wait3A_184 = tpu.memref_squeeze %dma_wait3A_183 : memref<1x8x1024xf32, #tpu.memory_space<vmem>> -> memref<8x1024xf32, #tpu.memory_space<vmem>>
    %dma_wait3A_185 = arith.constant 0 : i32
    %dma_wait3A_186 = arith.constant 0 : i32
    %dma_wait3A_187 = tpu.memref_slice %arg4[%dma_wait3A_185, %dma_wait3A_186] : memref<16384x1024xf32, #tpu.memory_space<hbm>> -> memref<8x1024xf32, #tpu.memory_space<hbm>>
    %dma_wait3A_188 = tpu.memref_slice %arg8[%dma_wait3A_180] : memref<8x!tpu.dma_semaphore, #tpu.memory_space<semaphore_mem>> -> memref<1x!tpu.dma_semaphore, #tpu.memory_space<semaphore_mem>>
    %dma_wait3A_189 = tpu.memref_squeeze %dma_wait3A_188 : memref<1x!tpu.dma_semaphore, #tpu.memory_space<semaphore_mem>> -> memref<!tpu.dma_semaphore, #tpu.memory_space<semaphore_mem>>
    %dma_wait3A_190 = arith.constant 0 : i32
    %dma_wait3A_191 = arith.constant 0 : i32
    %dma_wait3A_192 = tpu.memref_slice %arg4[%dma_wait3A_190, %dma_wait3A_191] : memref<16384x1024xf32, #tpu.memory_space<hbm>> -> memref<8x1024xf32, #tpu.memory_space<hbm>>
    %dma_wait3A_193 = arith.constant 0 : i32
    %dma_wait3A_194 = arith.constant 0 : i32
    %dma_wait3A_195 = tpu.memref_slice %arg6[%dma_wait3A_179, %dma_wait3A_193, %dma_wait3A_194] : memref<8x8x1024xf32, #tpu.memory_space<vmem>> -> memref<1x8x1024xf32, #tpu.memory_space<vmem>>
    %dma_wait3A_196 = tpu.memref_squeeze %dma_wait3A_195 : memref<1x8x1024xf32, #tpu.memory_space<vmem>> -> memref<8x1024xf32, #tpu.memory_space<vmem>>
    tpu.wait_dma2 semaphore(%dma_wait3A_189 : memref<!tpu.dma_semaphore, #tpu.memory_space<semaphore_mem>>) src(%dma_wait3A_196 : memref<8x1024xf32, #tpu.memory_space<vmem>>) dst(%dma_wait3A_192 : memref<8x1024xf32, #tpu.memory_space<hbm>>)
    %dma_wait3A_197 = arith.constant 4 : i32
    %dma_wait3A_198 = arith.constant 4 : i32
    %dma_wait3A_199 = arith.constant 0 : i32
    %dma_wait3A_200 = arith.constant 0 : i32
    %dma_wait3A_201 = tpu.memref_slice %arg6[%dma_wait3A_197, %dma_wait3A_199, %dma_wait3A_200] : memref<8x8x1024xf32, #tpu.memory_space<vmem>> -> memref<1x8x1024xf32, #tpu.memory_space<vmem>>
    %dma_wait3A_202 = tpu.memref_squeeze %dma_wait3A_201 : memref<1x8x1024xf32, #tpu.memory_space<vmem>> -> memref<8x1024xf32, #tpu.memory_space<vmem>>
    %dma_wait3A_203 = arith.constant 0 : i32
    %dma_wait3A_204 = arith.constant 0 : i32
    %dma_wait3A_205 = tpu.memref_slice %arg4[%dma_wait3A_203, %dma_wait3A_204] : memref<16384x1024xf32, #tpu.memory_space<hbm>> -> memref<8x1024xf32, #tpu.memory_space<hbm>>
    %dma_wait3A_206 = tpu.memref_slice %arg8[%dma_wait3A_198] : memref<8x!tpu.dma_semaphore, #tpu.memory_space<semaphore_mem>> -> memref<1x!tpu.dma_semaphore, #tpu.memory_space<semaphore_mem>>
    %dma_wait3A_207 = tpu.memref_squeeze %dma_wait3A_206 : memref<1x!tpu.dma_semaphore, #tpu.memory_space<semaphore_mem>> -> memref<!tpu.dma_semaphore, #tpu.memory_space<semaphore_mem>>
    %dma_wait3A_208 = arith.constant 0 : i32
    %dma_wait3A_209 = arith.constant 0 : i32
    %dma_wait3A_210 = tpu.memref_slice %arg4[%dma_wait3A_208, %dma_wait3A_209] : memref<16384x1024xf32, #tpu.memory_space<hbm>> -> memref<8x1024xf32, #tpu.memory_space<hbm>>
    %dma_wait3A_211 = arith.constant 0 : i32
    %dma_wait3A_212 = arith.constant 0 : i32
    %dma_wait3A_213 = tpu.memref_slice %arg6[%dma_wait3A_197, %dma_wait3A_211, %dma_wait3A_212] : memref<8x8x1024xf32, #tpu.memory_space<vmem>> -> memref<1x8x1024xf32, #tpu.memory_space<vmem>>
    %dma_wait3A_214 = tpu.memref_squeeze %dma_wait3A_213 : memref<1x8x1024xf32, #tpu.memory_space<vmem>> -> memref<8x1024xf32, #tpu.memory_space<vmem>>
    tpu.wait_dma2 semaphore(%dma_wait3A_207 : memref<!tpu.dma_semaphore, #tpu.memory_space<semaphore_mem>>) src(%dma_wait3A_214 : memref<8x1024xf32, #tpu.memory_space<vmem>>) dst(%dma_wait3A_210 : memref<8x1024xf32, #tpu.memory_space<hbm>>)
    %dma_wait3A_215 = arith.constant 5 : i32
    %dma_wait3A_216 = arith.constant 5 : i32
    %dma_wait3A_217 = arith.constant 0 : i32
    %dma_wait3A_218 = arith.constant 0 : i32
    %dma_wait3A_219 = tpu.memref_slice %arg6[%dma_wait3A_215, %dma_wait3A_217, %dma_wait3A_218] : memref<8x8x1024xf32, #tpu.memory_space<vmem>> -> memref<1x8x1024xf32, #tpu.memory_space<vmem>>
    %dma_wait3A_220 = tpu.memref_squeeze %dma_wait3A_219 : memref<1x8x1024xf32, #tpu.memory_space<vmem>> -> memref<8x1024xf32, #tpu.memory_space<vmem>>
    %dma_wait3A_221 = arith.constant 0 : i32
    %dma_wait3A_222 = arith.constant 0 : i32
    %dma_wait3A_223 = tpu.memref_slice %arg4[%dma_wait3A_221, %dma_wait3A_222] : memref<16384x1024xf32, #tpu.memory_space<hbm>> -> memref<8x1024xf32, #tpu.memory_space<hbm>>
    %dma_wait3A_224 = tpu.memref_slice %arg8[%dma_wait3A_216] : memref<8x!tpu.dma_semaphore, #tpu.memory_space<semaphore_mem>> -> memref<1x!tpu.dma_semaphore, #tpu.memory_space<semaphore_mem>>
    %dma_wait3A_225 = tpu.memref_squeeze %dma_wait3A_224 : memref<1x!tpu.dma_semaphore, #tpu.memory_space<semaphore_mem>> -> memref<!tpu.dma_semaphore, #tpu.memory_space<semaphore_mem>>
    %dma_wait3A_226 = arith.constant 0 : i32
    %dma_wait3A_227 = arith.constant 0 : i32
    %dma_wait3A_228 = tpu.memref_slice %arg4[%dma_wait3A_226, %dma_wait3A_227] : memref<16384x1024xf32, #tpu.memory_space<hbm>> -> memref<8x1024xf32, #tpu.memory_space<hbm>>
    %dma_wait3A_229 = arith.constant 0 : i32
    %dma_wait3A_230 = arith.constant 0 : i32
    %dma_wait3A_231 = tpu.memref_slice %arg6[%dma_wait3A_215, %dma_wait3A_229, %dma_wait3A_230] : memref<8x8x1024xf32, #tpu.memory_space<vmem>> -> memref<1x8x1024xf32, #tpu.memory_space<vmem>>
    %dma_wait3A_232 = tpu.memref_squeeze %dma_wait3A_231 : memref<1x8x1024xf32, #tpu.memory_space<vmem>> -> memref<8x1024xf32, #tpu.memory_space<vmem>>
    tpu.wait_dma2 semaphore(%dma_wait3A_225 : memref<!tpu.dma_semaphore, #tpu.memory_space<semaphore_mem>>) src(%dma_wait3A_232 : memref<8x1024xf32, #tpu.memory_space<vmem>>) dst(%dma_wait3A_228 : memref<8x1024xf32, #tpu.memory_space<hbm>>)
    %dma_wait3A_233 = arith.constant 6 : i32
    %dma_wait3A_234 = arith.constant 6 : i32
    %dma_wait3A_235 = arith.constant 0 : i32
    %dma_wait3A_236 = arith.constant 0 : i32
    %dma_wait3A_237 = tpu.memref_slice %arg6[%dma_wait3A_233, %dma_wait3A_235, %dma_wait3A_236] : memref<8x8x1024xf32, #tpu.memory_space<vmem>> -> memref<1x8x1024xf32, #tpu.memory_space<vmem>>
    %dma_wait3A_238 = tpu.memref_squeeze %dma_wait3A_237 : memref<1x8x1024xf32, #tpu.memory_space<vmem>> -> memref<8x1024xf32, #tpu.memory_space<vmem>>
    %dma_wait3A_239 = arith.constant 0 : i32
    %dma_wait3A_240 = arith.constant 0 : i32
    %dma_wait3A_241 = tpu.memref_slice %arg4[%dma_wait3A_239, %dma_wait3A_240] : memref<16384x1024xf32, #tpu.memory_space<hbm>> -> memref<8x1024xf32, #tpu.memory_space<hbm>>
    %dma_wait3A_242 = tpu.memref_slice %arg8[%dma_wait3A_234] : memref<8x!tpu.dma_semaphore, #tpu.memory_space<semaphore_mem>> -> memref<1x!tpu.dma_semaphore, #tpu.memory_space<semaphore_mem>>
    %dma_wait3A_243 = tpu.memref_squeeze %dma_wait3A_242 : memref<1x!tpu.dma_semaphore, #tpu.memory_space<semaphore_mem>> -> memref<!tpu.dma_semaphore, #tpu.memory_space<semaphore_mem>>
    %dma_wait3A_244 = arith.constant 0 : i32
    %dma_wait3A_245 = arith.constant 0 : i32
    %dma_wait3A_246 = tpu.memref_slice %arg4[%dma_wait3A_244, %dma_wait3A_245] : memref<16384x1024xf32, #tpu.memory_space<hbm>> -> memref<8x1024xf32, #tpu.memory_space<hbm>>
    %dma_wait3A_247 = arith.constant 0 : i32
    %dma_wait3A_248 = arith.constant 0 : i32
    %dma_wait3A_249 = tpu.memref_slice %arg6[%dma_wait3A_233, %dma_wait3A_247, %dma_wait3A_248] : memref<8x8x1024xf32, #tpu.memory_space<vmem>> -> memref<1x8x1024xf32, #tpu.memory_space<vmem>>
    %dma_wait3A_250 = tpu.memref_squeeze %dma_wait3A_249 : memref<1x8x1024xf32, #tpu.memory_space<vmem>> -> memref<8x1024xf32, #tpu.memory_space<vmem>>
    tpu.wait_dma2 semaphore(%dma_wait3A_243 : memref<!tpu.dma_semaphore, #tpu.memory_space<semaphore_mem>>) src(%dma_wait3A_250 : memref<8x1024xf32, #tpu.memory_space<vmem>>) dst(%dma_wait3A_246 : memref<8x1024xf32, #tpu.memory_space<hbm>>)
    %dma_wait3A_251 = arith.constant 7 : i32
    %dma_wait3A_252 = arith.constant 7 : i32
    %dma_wait3A_253 = arith.constant 0 : i32
    %dma_wait3A_254 = arith.constant 0 : i32
    %dma_wait3A_255 = tpu.memref_slice %arg6[%dma_wait3A_251, %dma_wait3A_253, %dma_wait3A_254] : memref<8x8x1024xf32, #tpu.memory_space<vmem>> -> memref<1x8x1024xf32, #tpu.memory_space<vmem>>
    %dma_wait3A_256 = tpu.memref_squeeze %dma_wait3A_255 : memref<1x8x1024xf32, #tpu.memory_space<vmem>> -> memref<8x1024xf32, #tpu.memory_space<vmem>>
    %dma_wait3A_257 = arith.constant 0 : i32
    %dma_wait3A_258 = arith.constant 0 : i32
    %dma_wait3A_259 = tpu.memref_slice %arg4[%dma_wait3A_257, %dma_wait3A_258] : memref<16384x1024xf32, #tpu.memory_space<hbm>> -> memref<8x1024xf32, #tpu.memory_space<hbm>>
    %dma_wait3A_260 = tpu.memref_slice %arg8[%dma_wait3A_252] : memref<8x!tpu.dma_semaphore, #tpu.memory_space<semaphore_mem>> -> memref<1x!tpu.dma_semaphore, #tpu.memory_space<semaphore_mem>>
    %dma_wait3A_261 = tpu.memref_squeeze %dma_wait3A_260 : memref<1x!tpu.dma_semaphore, #tpu.memory_space<semaphore_mem>> -> memref<!tpu.dma_semaphore, #tpu.memory_space<semaphore_mem>>
    %dma_wait3A_262 = arith.constant 0 : i32
    %dma_wait3A_263 = arith.constant 0 : i32
    %dma_wait3A_264 = tpu.memref_slice %arg4[%dma_wait3A_262, %dma_wait3A_263] : memref<16384x1024xf32, #tpu.memory_space<hbm>> -> memref<8x1024xf32, #tpu.memory_space<hbm>>
    %dma_wait3A_265 = arith.constant 0 : i32
    %dma_wait3A_266 = arith.constant 0 : i32
    %dma_wait3A_267 = tpu.memref_slice %arg6[%dma_wait3A_251, %dma_wait3A_265, %dma_wait3A_266] : memref<8x8x1024xf32, #tpu.memory_space<vmem>> -> memref<1x8x1024xf32, #tpu.memory_space<vmem>>
    %dma_wait3A_268 = tpu.memref_squeeze %dma_wait3A_267 : memref<1x8x1024xf32, #tpu.memory_space<vmem>> -> memref<8x1024xf32, #tpu.memory_space<vmem>>
    tpu.wait_dma2 semaphore(%dma_wait3A_261 : memref<!tpu.dma_semaphore, #tpu.memory_space<semaphore_mem>>) src(%dma_wait3A_268 : memref<8x1024xf32, #tpu.memory_space<vmem>>) dst(%dma_wait3A_264 : memref<8x1024xf32, #tpu.memory_space<hbm>>)
    return
  }
}

</mosaic_0001>

<sc_bundles>
// kernel: _emb.3.cloned.1.call-start
scs
__scs_entry_jumppad:
0x0: {  	(pc) =	sbr.rel $0x88, $3  }
0x1: {  	(tag) =	ssettag $0x0;
	lr =	simm.s32 $0x1  }
0x2: {  	[smem:$0x3F9F] =	sst lr;
	_ =	strace $0xD0000000  }
0x3: {  	_ = 	snop  }
0x4: {  	_ = 	snop  }
0x5: {  	_ = 	snop  }
0x6: {  	_ = 	snop  }
0x7: {  	_ = 	snop  }
__scs_overlays_trampoline_lowered:
0x8: {  	[smem:$0x3FAE] =	sst s0  }
0x9: {  	[smem:$0x3FAF] =	sst s1  }
0xa: {  	[smem:$0x3FB0] =	sst s2  }
0xb: {  	[smem:$0x3FB1] =	sst s3  }
0xc: {  	[smem:$0x3FB2] =	sst s4  }
0xd: {  	[smem:$0x3FB3] =	sst s5  }
0xe: {  	[smem:$0x3FB4] =	sst s6  }
0xf: {  	[smem:$0x3FB5] =	sst s7  }
0x10: {  	[smem:$0x3FB6] =	sst s8  }
0x11: {  	[smem:$0x3FB7] =	sst s9;
	s0 =	simm.s32 @!p0 $0x0  }
0x12: {  	s1 =	sld [smem:$0x3F9D];
	s0 =	simm.s32 @p0 $0x1  }
0x13: {  	[smem:$0x3FB8] =	sst s0;
	s0 =	simm.s32 @!p1 $0x0  }
0x14: {  	s2 =	sld [smem:$0x3F9C];
	s0 =	simm.s32 @p1 $0x1  }
0x15: {  	[smem:$0x3FB9] =	sst s0;
	s0 =	simm.s32 @!p2 $0x0  }
0x16: {  	s3 =	sld [smem:$0x3FDB];
	s0 =	simm.s32 @p2 $0x1  }
0x17: {  	s4 =	simm.s32 $0x1BF5;
	[smem:$0x3FBB] =	sst s0  }
0x18: {  	s0 =	sld [smem:$0x3F9E];
	_ =	swait.ge [sflag:s4], $0x0  }
0x19: {  	s7 =	sld [smem:$0x3F9F]  }
0x1a: {  	s8 =	sadd.s32 $0xFFFFE003, lr  }
0x1b: {  	s9 =	sadd.s32 $0xFFFFFEF7, lr;
	s5 =	simm.s32 $0xFFFFFFFF;
	p2 =	slt.u32 s8, $0xFFFFF086  }
0x1c: {  	p1 =	slt.u32 s9, $0xF7A;
	s5 =	simm.s32 @!p2 $0x0  }
0x1d: {  	s5 =	simm.s32 @p1 $0x1;
	p0 =	seq.s32 s7, s2  }
0x1e: {  	s7 =	smul.u32 @!p0 $0xF7A, s2;
	p2 =	seq.s32 @!p0 s5, $0x0  }
0x1f: {  	s9 =	smul.u32 $0xF7A, s1;
	s8 =	simm.s32 @!p0 $0x1BF5;
	p2 =	por !p2, p0  }
0x20: {  	[sflag:s8] =	ssyncset.s32 @!p0 $0xFFFFF086;
	s6 =	sadd.s32 @!p0 s3, s7;
	s7 =	simm.s32 @!p0 $0x108  }
0x21: {  	s3 =	sadd.s32 s3, s9;
	s6 =	sadd.s32 @!p0 $0x88, s6;
	s7 =	simm.s32 @p2 $0x1082  }
0x22: {  	[simem:s7], [sflag:s8] =	dma.local @!p0 [hbm:s6], $0xF7A  }
0x23: {  	s9 =	sor.u32 $0xD0000000, s2;
	s6 =	simm.s32 $0x108;
	_ =	swait.ge @!p0 [sflag:s8], $0x0  }
0x24: {  	s3 =	sadd.s32 $0x88, s3;
	s6 =	simm.s32 @!p1 $0x1082;
	[sflag:s4] =	ssyncset.s32 $0xFFFFF086  }
0x25: {  	[simem:s6], [sflag:s4] =	dma.local [hbm:s3], $0xF7A  }
0x26: {  	[smem:$0x3F9F] =	sst s1;
	(tag) =	ssettag s2;
	_ =	strace s9  }
0x27: {  	s1 =	sld [smem:$0x3FAF]  }
0x28: {  	s2 =	sld [smem:$0x3FB0]  }
0x29: {  	s4 =	sld [smem:$0x3FB2]  }
0x2a: {  	p0 =	seq.s32 s5, $0x0;
	s5 =	sld [smem:$0x3FB3]  }
0x2b: {  	s6 =	sld [smem:$0x3FB4]  }
0x2c: {  	s7 =	sld [smem:$0x3FB5]  }
0x2d: {  	s3 =	simm.s32 $0x108;
	s8 =	sld [smem:$0x3FB6]  }
0x2e: {  	s3 =	simm.s32 @!p0 $0x1082;
	s9 =	sld [smem:$0x3FB7]  }
0x2f: {  	lr =	sadd.s32 s0, s3;
	s0 =	sld [smem:$0x3FAE]  }
0x30: {  	s3 =	sld [smem:$0x3FB1]  }
0x31: {  	[smem:$0x3FBA] =	sst s10  }
0x32: {  	s10 =	sld [smem:$0x3FB8];
	_ =	sdelay $0x3  }
0x33: {  	p0 =	seq.s32 s10, $0x1;
	s10 =	sld [smem:$0x3FBA];
	_ =	sdelay $0x3  }
0x34: {  	[smem:$0x3FBA] =	sst s10  }
0x35: {  	s10 =	sld [smem:$0x3FB9];
	_ =	sdelay $0x3  }
0x36: {  	p1 =	seq.s32 s10, $0x1;
	s10 =	sld [smem:$0x3FBA];
	_ =	sdelay $0x3  }
0x37: {  	[smem:$0x3FBA] =	sst s10  }
0x38: {  	s10 =	sld [smem:$0x3FBB]  }
0x39: {  	_ = 	snop;
	(pc) =	sbr.ind lr, $3  }
0x3a: {  	_ = 	snop  }
0x3b: {  	_ = 	snop  }
0x3c: {  	p2 =	seq.s32 s10, $0x1;
	s10 =	sld [smem:$0x3FBA]  }
0x3d: {  	_ =	shalt  }
0x3e: {  	_ =	shalt  }
0x3f: {  	_ =	shalt  }
0x40: {  	_ =	shalt  }
0x41: {  	_ =	shalt  }
0x42: {  	_ =	shalt  }
0x43: {  	_ =	shalt  }
0x44: {  	_ =	shalt  }
0x45: {  	_ =	shalt  }
0x46: {  	_ =	shalt  }
0x47: {  	_ =	shalt  }
0x48: {  	_ =	shalt  }
0x49: {  	_ =	shalt  }
0x4a: {  	_ =	shalt  }
0x4b: {  	_ =	shalt  }
0x4c: {  	_ =	shalt  }
0x4d: {  	_ =	shalt  }
0x4e: {  	_ =	shalt  }
0x4f: {  	_ =	shalt  }
0x50: {  	_ =	shalt  }
0x51: {  	_ =	shalt  }
0x52: {  	_ =	shalt  }
0x53: {  	_ =	shalt  }
0x54: {  	_ =	shalt  }
0x55: {  	_ =	shalt  }
0x56: {  	_ =	shalt  }
0x57: {  	_ =	shalt  }
0x58: {  	_ =	shalt  }
0x59: {  	_ =	shalt  }
0x5a: {  	_ =	shalt  }
0x5b: {  	_ =	shalt  }
0x5c: {  	_ =	shalt  }
0x5d: {  	_ =	shalt  }
0x5e: {  	_ =	shalt  }
0x5f: {  	_ =	shalt  }
0x60: {  	_ =	shalt  }
0x61: {  	_ =	shalt  }
0x62: {  	_ =	shalt  }
0x63: {  	_ =	shalt  }
0x64: {  	_ =	shalt  }
0x65: {  	_ =	shalt  }
0x66: {  	_ =	shalt  }
0x67: {  	_ =	shalt  }
0x68: {  	_ =	shalt  }
0x69: {  	_ =	shalt  }
0x6a: {  	_ =	shalt  }
0x6b: {  	_ =	shalt  }
0x6c: {  	_ =	shalt  }
0x6d: {  	_ =	shalt  }
0x6e: {  	_ =	shalt  }
0x6f: {  	_ =	shalt  }
0x70: {  	_ =	shalt  }
0x71: {  	_ =	shalt  }
0x72: {  	_ =	shalt  }
0x73: {  	_ =	shalt  }
0x74: {  	_ =	shalt  }
0x75: {  	_ =	shalt  }
0x76: {  	_ =	shalt  }
0x77: {  	_ =	shalt  }
0x78: {  	_ =	shalt  }
0x79: {  	_ =	shalt  }
0x7a: {  	_ =	shalt  }
0x7b: {  	_ =	shalt  }
0x7c: {  	_ =	shalt  }
0x7d: {  	_ =	shalt  }
0x7e: {  	_ =	shalt  }
0x7f: {  	_ =	shalt  }
0x80: {  	_ =	shalt  }
0x81: {  	_ =	shalt  }
0x82: {  	_ =	shalt  }
0x83: {  	_ =	shalt  }
0x84: {  	_ =	shalt  }
0x85: {  	_ =	shalt  }
0x86: {  	_ =	shalt  }
0x87: {  	_ =	shalt  }
.Lfunc_end0:
.L_simem_size_0:
called_computation_lowered:
.L_overlay_start_0:
0x88: {  	s2 =	sld [smem:$0x3FD9]  }
0x89: {  	s3 =	sld [smem:$0x3FFE];
	_ =	sdelay $0x1  }
0x8a: {  	s1 =	srdreg.scid  }
0x8b: {  	s0 =	sand.u32 $0x1, s1  }
0x8c: {  	s17 =	sshll.u32 s0, $0xA;
	s2 =	sadd.s32 s3, s2  }
0x8d: {  	s2 =	sadd.s32 s2, s17  }
0x8e: {  	[smem:$0x3FC6] =	sst s2  }
0x8f: {  	_ = 	snop  }
0x90: {  	s2 =	sld [smem:$0x3FC8]  }
0x91: {  	s18 =	sld [smem:$0x3FD0];
	(tm) =	ssettm $0x1  }
0x92: {  	s4 =	sld [smem:$0x3FFB];
	_ =	sdelay $0x3  }
0x93: {  	_ =	strace s4  }
0x94: {  	s4 =	sld [smem:$0x3FFC];
	_ =	sdelay $0x3  }
0x95: {  	_ =	strace s4  }
0x96: {  	s4 =	sld [smem:$0x3FFD];
	_ =	sdelay $0x3  }
0x97: {  	_ =	strace s4  }
0x98: {  	_ =	strace $0x8FFFFFFF  }
0x99: {  	s19 =	sld [smem:$0x3FDB];
	_ =	sdelay $0x1  }
0x9a: {  	s5 =	simm.s32 $_scs_section_size  }
0x9b: {  	s6 =	simm.s32 $_size__tile_overlayer_lowered;
	s7 =	simm.s32 $_tile_overlayer_lowered  }
0x9c: {  	s22 =	simm.s32 $0x1BFF;
	s21 =	sshll.u32 s7, $0x1;
	s4 =	sadd.s32 s5, s19  }
0x9d: {  	s8 =	simm.s32 $0x0;
	s20 =	sshll.u32 s6, $0x1;
	s6 =	sadd.s32 s21, s4  }
0x9e: {  	[timem:s8], [sflag:s22] =	dma.local [hbm:s6], s20  }
0x9f: {  	_ =	swait.ge [sflag:s22], s20  }
0xa0: {  	s5 =	ssub.s32 $0x0, s20;
	[sflag:s22] =	ssyncset.done $0x0  }
0xa1: {  	[sflag:s22] =	ssyncadd.s32 s5;
	_ =	sdelay $0x1  }
0xa2: {  	s23 =	simm.s32 $0x1B8B  }
0xa3: {  	_ =	swait.ge [sflag:s23], $0x1  }
0xa4: {  	[sflag:s23] =	ssyncset.done $0x0  }
0xa5: {  	s25 =	simm.s32 $0x1B8E;
	s24 =	sld [smem:$0x3FFE];
	[sflag:s23] =	ssyncadd.s32 $0xFFFFFFFF  }
0xa6: {  	s26 =	simm.s32 $execute0_lowered;
	[smem:$0x3FD2] =	sst s25  }
0xa7: {  	s6 =	sshll.u32 s26, $0x1;
	_ =	strace $0x80000046;
	[dreg:$0x1] =	wrdreg $0xFFFFFFFF  }
0xa8: {  	s28 =	simm.s32 $_size_execute0_lowered;
	s4 =	sadd.s32 s4, s6;
	[dreg:$0x0] =	wrdreg $0x0  }
0xa9: {  	s6 =	sshll.u32 s28, $0x1;
	[dreg:$0x2] =	wrdreg s4  }
0xaa: {  	[dreg:$0x3] =	wrdreg s6  }
0xab: {  	[dreg:$0x4] =	wrdreg $0xC0  }
0xac: {  	_ =	task [dreg:s8], $0x5FFFF  }
0xad: {  	[dreg:$0x1] =	wrdreg $0xFFFFFFFF  }
0xae: {  	[dreg:$0x0] =	wrdreg $0x60  }
0xaf: {  	[dreg:$0x2] =	wrdreg s24  }
0xb0: {  	[dreg:$0x3] =	wrdreg s2  }
0xb1: {  	[dreg:$0x4] =	wrdreg s18  }
0xb2: {  	[dreg:$0x5] =	wrdreg $0x9  }
0xb3: {  	_ =	task.clear_ibuf [dreg:s8], $0x6FFFF;
	_ =	strace $0x90000046  }
0xb4: {  	s29 =	simm.s32 $0x9;
	_ =	strace $0x80000048  }
0xb5: {  	_ =	swait.ge [sflag:s29], $0x1  }
0xb6: {  	[sflag:s29] =	ssyncadd.s32 $0xFFFFFFFF  }
0xb7: {  	_ =	strace $0x90000048  }
0xb8: {  	_ =	sfence  }
0xb9: {  	s30 =	sld [smem:$0x0];
	_ =	sdelay $0x2  }
0xba: {  	s31 =	sshll.u32 s1, $0xD;
	s1 =	sshrl.u32 s1, $0x2  }
0xbb: {  	s3 =	sand.u32 $0x4000, s31;
	s1 =	sadd.s32 s1, s30  }
0xbc: {  	s0 =	sor.u32 s3, s0;
	s1 =	sshll.u32 s1, $0x11  }
0xbd: {  	s0 =	sor.u32 s1, s0  }
0xbe: {  	s0 =	sadd.s32 $0x8F2B, s0  }
0xbf: {  	[sflag:s0] =	ssyncadd.remote.s32 $0x1  }
0xc0: {  	_ =	sfence.sel $0xFFFF  }
0xc1: {  	[dreg:$0x0] =	wrdreg $0xFFFFFFFF;
	(pc) =	sbr.abs _section_cstart, $3  }
0xc2: {  	[dreg:$0x1] =	wrdreg $0xFFFFFFFF  }
0xc3: {  	_ =	task.clear_ibuf [dreg:s8], $0x2FFFF;
	_ =	strace $0x9FFFFFFF  }
0xc4: {  	(tm) =	ssettm $0x7FFFFFFF  }
0xc5: {  	_ =	shalt  }
tec
execute0_lowered:
.L_overlay_start_1:
0x0: {  	(tag) =	ssettag $0x1  }
0x1: {  	s0 =	rddreg [dreg:$0x0]  }
0x2: {  	s1 =	rddreg [dreg:$0x1]  }
0x3: {  	s10 =	rddreg [dreg:$0x2];
	s2 =	srdreg.scid;
	s4 =	simm.s32 $0x0  }
0x4: {  	s5 =	stileid.u32;
	s21 =	simm.s32 $0x6000;
	s25 =	simm.s32 $0x8000  }
0x5: {  	s30 =	simm.s32 $0xA000;
	s14 =	simm.s32 $0xC000;
	s19 =	simm.s32 $0xE000  }
0x6: {  	s24 =	simm.s32 $0x10000;
	s31 =	simm.s32 $0x1;
	s15 =	simm.s32 $0x4  }
0x7: {  	s16 =	simm.s32 $0x5;
	s18 =	simm.s32 $0x6;
	s11 =	simm.s32 $0x8  }
0x8: {  	s12 =	simm.s32 $0xF;
	s17 =	simm.s32 $0x0;
	s2 =	sand.u32 $0x1, s2  }
0x9: {  	[smem:$0x7FF] =	sst s4;
	s7 =	sadd.s32 $0x100, s1;
	s8 =	sadd.s32 $0x200, s1  }
0xa: {  	s9 =	sadd.s32 $0x300, s1;
	s3 =	sshll.u32 s2, $0x4;
	s2 =	ssub.s32 $0x2, s2  }
0xb: {  	_ =	strace $0x80000047;
	s3 =	sor.u32 s5, s3;
	s6 =	sshrl.u32 s2, $0x1  }
.Ltmp0:
0xc: {  	s5 =	sshll.u32 s3, $0xA;
	s2 =	ssub.s32 s2, s6;
	(pc) =	sbr.rel .LBB2_1-.Ltmp0, $4  }
0xd: {  	s28 =	sshll.u32 s3, $0x10;
	s6 =	simm.s32 $0x7;
	s0 =	sadd.s32 s5, s0  }
0xe: {  	v0 =	vlaneseq.u32;
	s5 =	sshll.u32 s3, $0x9;
	s10 =	sadd.s32 s10, s28;
	s29 =	smax.u32 s2, $0x1  }
0xf: {  	v1 =	vshrl.u32 v0, $0x3;
	s3 =	simm.s32 $0x3;
	s0 =	sadd.s32 $0x400, s0;
	[dreg:$0x5] =	wrdreg s29  }
0x10: {  	vm0 =	vmmov $0xffff;
	v0 =	vand.u32 $0x7, v0;
	v1 =	vmul.u32 $0x8, v1;
	s2 =	simm.s32 $0x10;
	[dreg:$0x4] =	wrdreg s0;
	s0 =	simm.s32 $0x2  }
.LBB2_36:
0x11: {  	s13 =	simm.s32 $0x9  }
0x12: {  	_ =	swait.ge [sflag:s13], $0x2000  }
0x13: {  	[sflag:s13] =	ssyncset.done $0x0  }
0x14: {  	s20 =	simm.s32 $0xA;
	[sflag:s13] =	ssyncadd.s32 $0xFFFFE000  }
0x15: {  	_ =	swait.ge [sflag:s20], $0x2000  }
0x16: {  	[sflag:s20] =	ssyncset.done $0x0  }
0x17: {  	s22 =	simm.s32 $0xB;
	[sflag:s20] =	ssyncadd.s32 $0xFFFFE000  }
0x18: {  	_ =	swait.ge [sflag:s22], $0x2000  }
0x19: {  	[sflag:s22] =	ssyncset.done $0x0  }
0x1a: {  	s23 =	simm.s32 $0xC;
	[sflag:s22] =	ssyncadd.s32 $0xFFFFE000  }
0x1b: {  	_ =	swait.ge [sflag:s23], $0x2000  }
0x1c: {  	[sflag:s23] =	ssyncset.done $0x0  }
0x1d: {  	s26 =	simm.s32 $0xD;
	[sflag:s23] =	ssyncadd.s32 $0xFFFFE000  }
0x1e: {  	_ =	swait.ge [sflag:s26], $0x2000  }
0x1f: {  	[sflag:s26] =	ssyncset.done $0x0  }
0x20: {  	s28 =	simm.s32 $0xE;
	[sflag:s26] =	ssyncadd.s32 $0xFFFFE000  }
0x21: {  	_ =	swait.ge [sflag:s28], $0x2000  }
0x22: {  	[sflag:s28] =	ssyncset.done $0x0  }
0x23: {  	[sflag:s28] =	ssyncadd.s32 $0xFFFFE000  }
0x24: {  	_ =	swait.ge [sflag:s12], $0x2000  }
0x25: {  	[sflag:s12] =	ssyncset.done $0x0  }
0x26: {  	[sflag:s12] =	ssyncadd.s32 $0xFFFFE000  }
0x27: {  	_ =	swait.ge [sflag:s2], $0x2000  }
0x28: {  	s17 =	rddreg [dreg:$0x6]  }
0x29: {  	s29 =	rddreg [dreg:$0x5];
	s17 =	sadd.s32 $0x1, s17  }
0x2a: {  	p0 =	sne.s32 s17, s29  }
.Ltmp1:
0x2b: {  	_ = 	snop;
	(pc) =	sbr.rel @!p0 .LBB2_37-.Ltmp1, $3  }
0x2c: {  	_ =	sdelay $0x1  }
0x2d: {  	[sflag:s2] =	ssyncset.done $0x0  }
0x2e: {  	[sflag:s2] =	ssyncadd.s32 $0xFFFFE000  }
.LBB2_1:
0x2f: {  	[dreg:$0x6] =	wrdreg s17  }
0x30: {  	s13 =	rddreg [dreg:$0x4];
	s20 =	simm.s32 $0x11  }
0x31: {  	[tilespmem:s4], [sflag:$0x11] =	stream.linear.gather [hbm4b:s13+s4], $0x2000, $0x38;
	[tilespmem:$0x12000] =	vst v63  }
0x32: {  	_ =	swait.ge [sflag:s20], $0x2000  }
0x33: {  	[sflag:s20] =	ssyncset.done $0x0  }
0x34: {  	[sflag:s20] =	ssyncadd.s32 $0xFFFFE000  }
0x35: {  	v2 =	vld.msk [tilespmem:$0x0], $0xff;
	_ =	sdelay $0x4  }
0x36: {  	v3 =	vshll.u32 v2, $0x3  }
0x37: {  	v2 =	vand.u32 $0x7, v2;
	v3 =	vand.u32 $0xFFFFFFC0, v3  }
0x38: {  	v2 =	vor.u32 v2, v3  }
0x39: {  	v2 =	vperm.xlane v2, v0;
	_ =	sdelay $0x1  }
0x3a: {  	v2 =	vadd.s32 v1, v2;
	_ =	sdelay $0x3  }
0x3b: {  	s22 =	simm.s32 $0x2000  }
0x3c: {  	[tilespmem:s22], [sflag:$0x1] =	stream.indirect_vreg.gather [hbm4b:s1+s4], $0x80, v2, vm0, $0xb8;
	[tilespmem:$0x12000] =	vst v63  }
0x3d: {  	s23 =	simm.s32 $0x2800  }
0x3e: {  	[tilespmem:s23], [sflag:$0x1] =	stream.indirect_vreg.gather [hbm4b:s7+s4], $0x80, v2, vm0, $0xb8;
	[tilespmem:$0x12000] =	vst v63  }
0x3f: {  	s26 =	simm.s32 $0x3000  }
0x40: {  	[tilespmem:s26], [sflag:$0x1] =	stream.indirect_vreg.gather [hbm4b:s8+s4], $0x80, v2, vm0, $0xb8;
	[tilespmem:$0x12000] =	vst v63  }
0x41: {  	s28 =	simm.s32 $0x3800  }
0x42: {  	[tilespmem:s28], [sflag:$0x1] =	stream.indirect_vreg.gather [hbm4b:s9+s4], $0x80, v2, vm0, $0xb8;
	[tilespmem:$0x12000] =	vst v63  }
0x43: {  	v2 =	vld.msk [tilespmem:$0x80], $0xff;
	_ =	sdelay $0x4  }
0x44: {  	v3 =	vshll.u32 v2, $0x3  }
0x45: {  	v2 =	vand.u32 $0x7, v2;
	v3 =	vand.u32 $0xFFFFFFC0, v3  }
0x46: {  	v2 =	vor.u32 v2, v3  }
0x47: {  	v2 =	vperm.xlane v2, v0;
	_ =	sdelay $0x1  }
0x48: {  	v2 =	vadd.s32 v1, v2;
	_ =	sdelay $0x3  }
0x49: {  	s29 =	simm.s32 $0x4000  }
0x4a: {  	[tilespmem:s29], [sflag:$0x2] =	stream.indirect_vreg.gather [hbm4b:s1+s4], $0x80, v2, vm0, $0xb8;
	[tilespmem:$0x12000] =	vst v63  }
0x4b: {  	s17 =	simm.s32 $0x4800  }
0x4c: {  	[tilespmem:s17], [sflag:$0x2] =	stream.indirect_vreg.gather [hbm4b:s7+s4], $0x80, v2, vm0, $0xb8;
	[tilespmem:$0x12000] =	vst v63  }
0x4d: {  	s20 =	simm.s32 $0x5000  }
0x4e: {  	[tilespmem:s20], [sflag:$0x2] =	stream.indirect_vreg.gather [hbm4b:s8+s4], $0x80, v2, vm0, $0xb8;
	[tilespmem:$0x12000] =	vst v63  }
0x4f: {  	s22 =	simm.s32 $0x5800  }
0x50: {  	[tilespmem:s22], [sflag:$0x2] =	stream.indirect_vreg.gather [hbm4b:s9+s4], $0x80, v2, vm0, $0xb8;
	[tilespmem:$0x12000] =	vst v63  }
0x51: {  	v2 =	vld.msk [tilespmem:$0x100], $0xff;
	_ =	sdelay $0x4  }
0x52: {  	v3 =	vshll.u32 v2, $0x3  }
0x53: {  	v2 =	vand.u32 $0x7, v2;
	v3 =	vand.u32 $0xFFFFFFC0, v3  }
0x54: {  	v2 =	vor.u32 v2, v3  }
0x55: {  	v2 =	vperm.xlane v2, v0;
	_ =	sdelay $0x1  }
0x56: {  	v2 =	vadd.s32 v1, v2;
	_ =	sdelay $0x4  }
0x57: {  	[tilespmem:s21], [sflag:$0x3] =	stream.indirect_vreg.gather [hbm4b:s1+s4], $0x80, v2, vm0, $0xb8;
	[tilespmem:$0x12000] =	vst v63  }
0x58: {  	s23 =	simm.s32 $0x6800  }
0x59: {  	[tilespmem:s23], [sflag:$0x3] =	stream.indirect_vreg.gather [hbm4b:s7+s4], $0x80, v2, vm0, $0xb8;
	[tilespmem:$0x12000] =	vst v63  }
0x5a: {  	s26 =	simm.s32 $0x7000  }
0x5b: {  	[tilespmem:s26], [sflag:$0x3] =	stream.indirect_vreg.gather [hbm4b:s8+s4], $0x80, v2, vm0, $0xb8;
	[tilespmem:$0x12000] =	vst v63  }
0x5c: {  	s28 =	simm.s32 $0x7800  }
0x5d: {  	[tilespmem:s28], [sflag:$0x3] =	stream.indirect_vreg.gather [hbm4b:s9+s4], $0x80, v2, vm0, $0xb8;
	[tilespmem:$0x12000] =	vst v63  }
0x5e: {  	v2 =	vld.msk [tilespmem:$0x180], $0xff;
	_ =	sdelay $0x4  }
0x5f: {  	v3 =	vshll.u32 v2, $0x3  }
0x60: {  	v2 =	vand.u32 $0x7, v2;
	v3 =	vand.u32 $0xFFFFFFC0, v3  }
0x61: {  	v2 =	vor.u32 v2, v3  }
0x62: {  	v2 =	vperm.xlane v2, v0;
	_ =	sdelay $0x1  }
0x63: {  	v2 =	vadd.s32 v1, v2;
	_ =	sdelay $0x4  }
0x64: {  	[tilespmem:s25], [sflag:$0x4] =	stream.indirect_vreg.gather [hbm4b:s1+s4], $0x80, v2, vm0, $0xb8;
	[tilespmem:$0x12000] =	vst v63  }
0x65: {  	s29 =	simm.s32 $0x8800  }
0x66: {  	[tilespmem:s29], [sflag:$0x4] =	stream.indirect_vreg.gather [hbm4b:s7+s4], $0x80, v2, vm0, $0xb8;
	[tilespmem:$0x12000] =	vst v63  }
0x67: {  	s17 =	simm.s32 $0x9000  }
0x68: {  	[tilespmem:s17], [sflag:$0x4] =	stream.indirect_vreg.gather [hbm4b:s8+s4], $0x80, v2, vm0, $0xb8;
	[tilespmem:$0x12000] =	vst v63  }
0x69: {  	s20 =	simm.s32 $0x9800  }
0x6a: {  	[tilespmem:s20], [sflag:$0x4] =	stream.indirect_vreg.gather [hbm4b:s9+s4], $0x80, v2, vm0, $0xb8;
	[tilespmem:$0x12000] =	vst v63  }
0x6b: {  	v2 =	vld.msk [tilespmem:$0x200], $0xff;
	_ =	sdelay $0x4  }
0x6c: {  	v3 =	vshll.u32 v2, $0x3  }
0x6d: {  	v2 =	vand.u32 $0x7, v2;
	v3 =	vand.u32 $0xFFFFFFC0, v3  }
0x6e: {  	v2 =	vor.u32 v2, v3  }
0x6f: {  	v2 =	vperm.xlane v2, v0;
	_ =	sdelay $0x1  }
0x70: {  	v2 =	vadd.s32 v1, v2;
	_ =	sdelay $0x4  }
0x71: {  	[tilespmem:s30], [sflag:$0x5] =	stream.indirect_vreg.gather [hbm4b:s1+s4], $0x80, v2, vm0, $0xb8;
	[tilespmem:$0x12000] =	vst v63  }
0x72: {  	s22 =	simm.s32 $0xA800  }
0x73: {  	[tilespmem:s22], [sflag:$0x5] =	stream.indirect_vreg.gather [hbm4b:s7+s4], $0x80, v2, vm0, $0xb8;
	[tilespmem:$0x12000] =	vst v63  }
0x74: {  	s23 =	simm.s32 $0xB000  }
0x75: {  	[tilespmem:s23], [sflag:$0x5] =	stream.indirect_vreg.gather [hbm4b:s8+s4], $0x80, v2, vm0, $0xb8;
	[tilespmem:$0x12000] =	vst v63  }
0x76: {  	s26 =	simm.s32 $0xB800  }
0x77: {  	[tilespmem:s26], [sflag:$0x5] =	stream.indirect_vreg.gather [hbm4b:s9+s4], $0x80, v2, vm0, $0xb8;
	[tilespmem:$0x12000] =	vst v63  }
0x78: {  	v2 =	vld.msk [tilespmem:$0x280], $0xff;
	_ =	sdelay $0x4  }
0x79: {  	v3 =	vshll.u32 v2, $0x3  }
0x7a: {  	v2 =	vand.u32 $0x7, v2;
	v3 =	vand.u32 $0xFFFFFFC0, v3  }
0x7b: {  	v2 =	vor.u32 v2, v3  }
0x7c: {  	v2 =	vperm.xlane v2, v0;
	_ =	sdelay $0x1  }
0x7d: {  	v2 =	vadd.s32 v1, v2;
	_ =	sdelay $0x4  }
0x7e: {  	[tilespmem:s14], [sflag:$0x6] =	stream.indirect_vreg.gather [hbm4b:s1+s4], $0x80, v2, vm0, $0xb8;
	[tilespmem:$0x12000] =	vst v63  }
0x7f: {  	s28 =	simm.s32 $0xC800  }
0x80: {  	[tilespmem:s28], [sflag:$0x6] =	stream.indirect_vreg.gather [hbm4b:s7+s4], $0x80, v2, vm0, $0xb8;
	[tilespmem:$0x12000] =	vst v63  }
0x81: {  	s29 =	simm.s32 $0xD000  }
0x82: {  	[tilespmem:s29], [sflag:$0x6] =	stream.indirect_vreg.gather [hbm4b:s8+s4], $0x80, v2, vm0, $0xb8;
	[tilespmem:$0x12000] =	vst v63  }
0x83: {  	s17 =	simm.s32 $0xD800  }
0x84: {  	[tilespmem:s17], [sflag:$0x6] =	stream.indirect_vreg.gather [hbm4b:s9+s4], $0x80, v2, vm0, $0xb8;
	[tilespmem:$0x12000] =	vst v63  }
0x85: {  	v2 =	vld.msk [tilespmem:$0x300], $0xff;
	_ =	sdelay $0x4  }
0x86: {  	v3 =	vshll.u32 v2, $0x3  }
0x87: {  	v2 =	vand.u32 $0x7, v2;
	v3 =	vand.u32 $0xFFFFFFC0, v3  }
0x88: {  	v2 =	vor.u32 v2, v3  }
0x89: {  	v2 =	vperm.xlane v2, v0;
	_ =	sdelay $0x1  }
0x8a: {  	v2 =	vadd.s32 v1, v2;
	_ =	sdelay $0x4  }
0x8b: {  	[tilespmem:s19], [sflag:$0x7] =	stream.indirect_vreg.gather [hbm4b:s1+s4], $0x80, v2, vm0, $0xb8;
	[tilespmem:$0x12000] =	vst v63  }
0x8c: {  	s20 =	simm.s32 $0xE800  }
0x8d: {  	[tilespmem:s20], [sflag:$0x7] =	stream.indirect_vreg.gather [hbm4b:s7+s4], $0x80, v2, vm0, $0xb8;
	[tilespmem:$0x12000] =	vst v63  }
0x8e: {  	s22 =	simm.s32 $0xF000  }
0x8f: {  	[tilespmem:s22], [sflag:$0x7] =	stream.indirect_vreg.gather [hbm4b:s8+s4], $0x80, v2, vm0, $0xb8;
	[tilespmem:$0x12000] =	vst v63  }
0x90: {  	s23 =	simm.s32 $0xF800  }
0x91: {  	[tilespmem:s23], [sflag:$0x7] =	stream.indirect_vreg.gather [hbm4b:s9+s4], $0x80, v2, vm0, $0xb8;
	[tilespmem:$0x12000] =	vst v63  }
0x92: {  	v2 =	vld.msk [tilespmem:$0x380], $0xff;
	_ =	sdelay $0x4  }
0x93: {  	v3 =	vshll.u32 v2, $0x3  }
0x94: {  	v2 =	vand.u32 $0x7, v2;
	v3 =	vand.u32 $0xFFFFFFC0, v3  }
0x95: {  	v2 =	vor.u32 v2, v3  }
0x96: {  	v2 =	vperm.xlane v2, v0;
	_ =	sdelay $0x1  }
0x97: {  	v2 =	vadd.s32 v1, v2;
	_ =	sdelay $0x4  }
0x98: {  	[tilespmem:s24], [sflag:$0x8] =	stream.indirect_vreg.gather [hbm4b:s1+s4], $0x80, v2, vm0, $0xb8;
	[tilespmem:$0x12000] =	vst v63  }
0x99: {  	s26 =	simm.s32 $0x10800  }
0x9a: {  	[tilespmem:s26], [sflag:$0x8] =	stream.indirect_vreg.gather [hbm4b:s7+s4], $0x80, v2, vm0, $0xb8;
	[tilespmem:$0x12000] =	vst v63  }
0x9b: {  	s28 =	simm.s32 $0x11000  }
0x9c: {  	[tilespmem:s28], [sflag:$0x8] =	stream.indirect_vreg.gather [hbm4b:s8+s4], $0x80, v2, vm0, $0xb8;
	[tilespmem:$0x12000] =	vst v63  }
0x9d: {  	s29 =	simm.s32 $0x11800;
	s20 =	simm.s32 $0x0  }
0x9e: {  	[tilespmem:s29], [sflag:$0x8] =	stream.indirect_vreg.gather [hbm4b:s9+s4], $0x80, v2, vm0, $0xb8;
	[tilespmem:$0x12000] =	vst v63  }
.LBB2_2:
0x9f: {  	_ =	swait.ge [sflag:s31], $0x2000  }
0xa0: {  	[sflag:s31] =	ssyncset.done $0x0  }
0xa1: {  	s22 =	simm.s32 $0x0;
	s23 =	simm.s32 $0x2040;
	[sflag:s31] =	ssyncadd.s32 $0xFFFFE000  }
.LBB2_3:
0xa2: {  	v4 =	vld [tilespmem:s23+$0x30]  }
0xa3: {  	v6 =	vld [tilespmem:s23+$0xFFFFFFD0]  }
0xa4: {  	v8 =	vld [tilespmem:s23+$0xFFFFFFE0]  }
0xa5: {  	v5 =	vld [tilespmem:s23+$0xFFFFFFF0]  }
0xa6: {  	v3 =	vld [tilespmem:s23+$0x0]  }
0xa7: {  	v2 =	vld [tilespmem:s23+$0x10];
	v9 =	vmul.f32 $3.200000000e+01, v4  }
0xa8: {  	v4 =	vld [tilespmem:s23+$0x20];
	v7 =	vmul.f32 $3.200000000e+01, v6  }
0xa9: {  	s28 =	simm.s32 $0x0;
	s13 =	sadd.s32 $0x400, s23;
	s26 =	smov.u32 s23;
	v6 =	vld [tilespmem:s23+$0xFFFFFFC0];
	v8 =	vmul.f32 $3.200000000e+01, v8;
	[tilespmem:s23+$0x30] =	vst v9  }
.LBB2_4:
0xaa: {  	v9 =	vld [tilespmem:s13+$0x30];
	s28 =	sadd.s32 $0x8, s28;
	[tilespmem:s26+$0xFFFFFFD0] =	vst v7;
	v5 =	vmul.f32 $3.200000000e+01, v5  }
0xab: {  	v7 =	vld [tilespmem:s13+$0xFFFFFFD0];
	p0 =	slt.u32 s28, $0x38;
	[tilespmem:s26+$0xFFFFFFE0] =	vst v8;
	v3 =	vmul.f32 $3.200000000e+01, v3  }
0xac: {  	v8 =	vld [tilespmem:s13+$0xFFFFFFE0];
	[tilespmem:s26+$0xFFFFFFF0] =	vst v5;
	v2 =	vmul.f32 $3.200000000e+01, v2  }
.Ltmp2:
0xad: {  	v5 =	vld [tilespmem:s13+$0xFFFFFFF0];
	[tilespmem:s26+$0x0] =	vst v3;
	v4 =	vmul.f32 $3.200000000e+01, v4;
	(pc) =	sbr.rel @p0 .LBB2_4-.Ltmp2, $4  }
0xae: {  	v3 =	vld [tilespmem:s13+$0x0];
	v6 =	vmul.f32 $3.200000000e+01, v6;
	[tilespmem:s26+$0x10] =	vst v2  }
0xaf: {  	v2 =	vld [tilespmem:s13+$0x10];
	v9 =	vmul.f32 $3.200000000e+01, v9;
	[tilespmem:s26+$0x20] =	vst v4  }
0xb0: {  	v7 =	vmul.f32 $3.200000000e+01, v7;
	v4 =	vld [tilespmem:s13+$0x20];
	[tilespmem:s26+$0xFFFFFFC0] =	vst v6;
	s26 =	smov.u32 s13  }
0xb1: {  	s13 =	sadd.s32 $0x400, s13;
	v6 =	vld [tilespmem:s26+$0xFFFFFFC0];
	v8 =	vmul.f32 $3.200000000e+01, v8;
	[tilespmem:s26+$0x30] =	vst v9  }
0xb2: {  	[tilespmem:s26+$0xFFFFFFD0] =	vst v7;
	v5 =	vmul.f32 $3.200000000e+01, v5;
	s22 =	sadd.s32 $0x1, s22  }
0xb3: {  	[tilespmem:s26+$0xFFFFFFE0] =	vst v8;
	v3 =	vmul.f32 $3.200000000e+01, v3;
	p0 =	sne.s32 s22, $0x8  }
.Ltmp3:
0xb4: {  	[tilespmem:s26+$0xFFFFFFF0] =	vst v5;
	v2 =	vmul.f32 $3.200000000e+01, v2;
	(pc) =	sbr.rel @p0 .LBB2_3-.Ltmp3, $4  }
0xb5: {  	[tilespmem:s26+$0x0] =	vst v3;
	v3 =	vmul.f32 $3.200000000e+01, v4  }
0xb6: {  	v63 =	vmul.f32 $3.200000000e+01, v6;
	[tilespmem:s26+$0x10] =	vst v2  }
0xb7: {  	[tilespmem:s26+$0x20] =	vst v3  }
0xb8: {  	s23 =	sadd.s32 $0x80, s23;
	[tilespmem:s26+$0xFFFFFFC0] =	vst v63  }
0xb9: {  	s13 =	sshll.u32 s20, $0xD  }
0xba: {  	s22 =	simm.s32 $0x0;
	s17 =	simm.s32 $0x2000;
	s13 =	sadd.s32 s13, s10  }
0xbb: {  	[hbm4b:s13+s22] =	stream.linear.scatter [tilespmem:s17], [sflag:$0x9], $0x2000, $0x38;
	[tilespmem:$0x12000] =	vst v63  }
0xbc: {  	_ =	swait.ge [sflag:s0], $0x2000  }
0xbd: {  	[sflag:s0] =	ssyncset.done $0x0  }
0xbe: {  	s23 =	simm.s32 $0x4070;
	[sflag:s0] =	ssyncadd.s32 $0xFFFFE000  }
.LBB2_7:
0xbf: {  	v4 =	vld [tilespmem:s23+$0x0]  }
0xc0: {  	v6 =	vld [tilespmem:s23+$0xFFFFFFA0]  }
0xc1: {  	v8 =	vld [tilespmem:s23+$0xFFFFFFB0]  }
0xc2: {  	v5 =	vld [tilespmem:s23+$0xFFFFFFC0]  }
0xc3: {  	v3 =	vld [tilespmem:s23+$0xFFFFFFD0]  }
0xc4: {  	v2 =	vld [tilespmem:s23+$0xFFFFFFE0];
	v9 =	vmul.f32 $3.200000000e+01, v4  }
0xc5: {  	v4 =	vld [tilespmem:s23+$0xFFFFFFF0];
	v7 =	vmul.f32 $3.200000000e+01, v6  }
0xc6: {  	s28 =	simm.s32 $0x0;
	s13 =	sadd.s32 $0x400, s23;
	s26 =	smov.u32 s23;
	v6 =	vld [tilespmem:s23+$0xFFFFFF90];
	v8 =	vmul.f32 $3.200000000e+01, v8;
	[tilespmem:s23+$0x0] =	vst v9  }
.LBB2_8:
0xc7: {  	v9 =	vld [tilespmem:s13+$0x0];
	s28 =	sadd.s32 $0x8, s28;
	[tilespmem:s26+$0xFFFFFFA0] =	vst v7;
	v5 =	vmul.f32 $3.200000000e+01, v5  }
0xc8: {  	v7 =	vld [tilespmem:s13+$0xFFFFFFA0];
	p0 =	slt.u32 s28, $0x38;
	[tilespmem:s26+$0xFFFFFFB0] =	vst v8;
	v3 =	vmul.f32 $3.200000000e+01, v3  }
0xc9: {  	v8 =	vld [tilespmem:s13+$0xFFFFFFB0];
	[tilespmem:s26+$0xFFFFFFC0] =	vst v5;
	v2 =	vmul.f32 $3.200000000e+01, v2  }
.Ltmp4:
0xca: {  	v5 =	vld [tilespmem:s13+$0xFFFFFFC0];
	[tilespmem:s26+$0xFFFFFFD0] =	vst v3;
	v4 =	vmul.f32 $3.200000000e+01, v4;
	(pc) =	sbr.rel @p0 .LBB2_8-.Ltmp4, $4  }
0xcb: {  	v3 =	vld [tilespmem:s13+$0xFFFFFFD0];
	v6 =	vmul.f32 $3.200000000e+01, v6;
	[tilespmem:s26+$0xFFFFFFE0] =	vst v2  }
0xcc: {  	v2 =	vld [tilespmem:s13+$0xFFFFFFE0];
	v9 =	vmul.f32 $3.200000000e+01, v9;
	[tilespmem:s26+$0xFFFFFFF0] =	vst v4  }
0xcd: {  	v7 =	vmul.f32 $3.200000000e+01, v7;
	v4 =	vld [tilespmem:s13+$0xFFFFFFF0];
	[tilespmem:s26+$0xFFFFFF90] =	vst v6;
	s26 =	smov.u32 s13  }
0xce: {  	s13 =	sadd.s32 $0x400, s13;
	v6 =	vld [tilespmem:s26+$0xFFFFFF90];
	v8 =	vmul.f32 $3.200000000e+01, v8;
	[tilespmem:s26+$0x0] =	vst v9  }
0xcf: {  	[tilespmem:s26+$0xFFFFFFA0] =	vst v7;
	v5 =	vmul.f32 $3.200000000e+01, v5;
	s22 =	sadd.s32 $0x1, s22  }
0xd0: {  	[tilespmem:s26+$0xFFFFFFB0] =	vst v8;
	v3 =	vmul.f32 $3.200000000e+01, v3;
	p0 =	sne.s32 s22, $0x8  }
.Ltmp5:
0xd1: {  	[tilespmem:s26+$0xFFFFFFC0] =	vst v5;
	v2 =	vmul.f32 $3.200000000e+01, v2;
	(pc) =	sbr.rel @p0 .LBB2_7-.Ltmp5, $4  }
0xd2: {  	[tilespmem:s26+$0xFFFFFFD0] =	vst v3;
	v3 =	vmul.f32 $3.200000000e+01, v4  }
0xd3: {  	v63 =	vmul.f32 $3.200000000e+01, v6;
	[tilespmem:s26+$0xFFFFFFE0] =	vst v2  }
0xd4: {  	[tilespmem:s26+$0xFFFFFFF0] =	vst v3  }
0xd5: {  	s23 =	sadd.s32 $0x80, s23;
	[tilespmem:s26+$0xFFFFFF90] =	vst v63  }
0xd6: {  	s13 =	sshll.u32 s20, $0x6  }
0xd7: {  	s13 =	sadd.s32 s13, s5  }
0xd8: {  	s17 =	rddreg [dreg:$0x2];
	s13 =	sshll.u32 s13, $0x7  }
0xd9: {  	s22 =	sadd.s32 s17, s13  }
0xda: {  	s28 =	simm.s32 $0x4000;
	p0 =	seq.s32 s20, $0x7;
	s13 =	sadd.s32 $0x400, s22  }
0xdb: {  	[hbm4b:s13+s4] =	stream.linear.scatter [tilespmem:s28], [sflag:$0xA], $0x2000, $0x38;
	[tilespmem:$0x12000] =	vst v63  }
0xdc: {  	s13 =	simm.s32 @!p0 $0x9  }
0xdd: {  	_ =	swait.ge @!p0 [sflag:s13], $0x2000  }
0xde: {  	s17 =	sshll.u32 @!p0 s20, $0xA;
	[sflag:s13] =	ssyncset.done @!p0 $0x0  }
0xdf: {  	s23 =	sand.u32 @!p0 $0x3FFFFC00, s17;
	[sflag:s13] =	ssyncadd.s32 @!p0 $0xFFFFE000  }
0xe0: {  	v2 =	vld.msk @!p0 [tilespmem:s23+$0x400], $0xff;
	_ =	sdelay $0x4  }
0xe1: {  	v3 =	vshll.u32 @!p0 v2, $0x3  }
0xe2: {  	v4 =	vlaneseq.u32 @!p0;
	v2 =	vand.u32 @!p0 $0x7, v2;
	v3 =	vand.u32 @!p0 $0xFFFFFFC0, v3  }
0xe3: {  	v2 =	vor.u32 @!p0 v2, v3;
	v3 =	vand.u32 @!p0 $0x7, v4;
	v4 =	vshrl.u32 @!p0 v4, $0x3  }
0xe4: {  	v2 =	vperm.xlane @!p0 v2, v3;
	v3 =	vmul.u32 @!p0 $0x8, v4;
	_ =	sdelay $0x1  }
0xe5: {  	v2 =	vadd.s32 @!p0 v3, v2;
	_ =	sdelay $0x3  }
0xe6: {  	vm1 =	vmmov @!p0 $0xffff;
	s17 =	simm.s32 @!p0 $0x2000;
	s13 =	simm.s32 @!p0 $0x0  }
0xe7: {  	[tilespmem:s17], [sflag:$0x1] =	stream.indirect_vreg.gather @!p0 [hbm4b:s1+s13], $0x80, v2, vm1, $0xb8;
	[tilespmem:$0x12000] =	vst v63  }
0xe8: {  	s17 =	simm.s32 @!p0 $0x2800  }
0xe9: {  	[tilespmem:s17], [sflag:$0x1] =	stream.indirect_vreg.gather @!p0 [hbm4b:s7+s13], $0x80, v2, vm1, $0xb8;
	[tilespmem:$0x12000] =	vst v63  }
0xea: {  	s17 =	simm.s32 @!p0 $0x3000  }
0xeb: {  	[tilespmem:s17], [sflag:$0x1] =	stream.indirect_vreg.gather @!p0 [hbm4b:s8+s13], $0x80, v2, vm1, $0xb8;
	[tilespmem:$0x12000] =	vst v63  }
0xec: {  	s17 =	simm.s32 @!p0 $0x3800  }
0xed: {  	[tilespmem:s17], [sflag:$0x1] =	stream.indirect_vreg.gather @!p0 [hbm4b:s9+s13], $0x80, v2, vm1, $0xb8;
	[tilespmem:$0x12000] =	vst v63  }
0xee: {  	_ =	swait.ge [sflag:s3], $0x2000  }
0xef: {  	[sflag:s3] =	ssyncset.done $0x0  }
0xf0: {  	s26 =	simm.s32 $0x0;
	s29 =	simm.s32 $0x6070;
	[sflag:s3] =	ssyncadd.s32 $0xFFFFE000  }
.LBB2_11:
0xf1: {  	v4 =	vld [tilespmem:s29+$0x0]  }
0xf2: {  	v6 =	vld [tilespmem:s29+$0xFFFFFFA0]  }
0xf3: {  	v8 =	vld [tilespmem:s29+$0xFFFFFFB0]  }
0xf4: {  	v5 =	vld [tilespmem:s29+$0xFFFFFFC0]  }
0xf5: {  	v3 =	vld [tilespmem:s29+$0xFFFFFFD0]  }
0xf6: {  	v2 =	vld [tilespmem:s29+$0xFFFFFFE0];
	v9 =	vmul.f32 $3.200000000e+01, v4  }
0xf7: {  	v4 =	vld [tilespmem:s29+$0xFFFFFFF0];
	v7 =	vmul.f32 $3.200000000e+01, v6  }
0xf8: {  	s13 =	simm.s32 $0x0;
	s17 =	sadd.s32 $0x400, s29;
	s28 =	smov.u32 s29;
	v6 =	vld [tilespmem:s29+$0xFFFFFF90];
	v8 =	vmul.f32 $3.200000000e+01, v8;
	[tilespmem:s29+$0x0] =	vst v9  }
.LBB2_12:
0xf9: {  	v9 =	vld [tilespmem:s17+$0x0];
	s13 =	sadd.s32 $0x8, s13;
	[tilespmem:s28+$0xFFFFFFA0] =	vst v7;
	v5 =	vmul.f32 $3.200000000e+01, v5  }
0xfa: {  	v7 =	vld [tilespmem:s17+$0xFFFFFFA0];
	p1 =	slt.u32 s13, $0x38;
	[tilespmem:s28+$0xFFFFFFB0] =	vst v8;
	v3 =	vmul.f32 $3.200000000e+01, v3  }
0xfb: {  	v8 =	vld [tilespmem:s17+$0xFFFFFFB0];
	[tilespmem:s28+$0xFFFFFFC0] =	vst v5;
	v2 =	vmul.f32 $3.200000000e+01, v2  }
.Ltmp6:
0xfc: {  	v5 =	vld [tilespmem:s17+$0xFFFFFFC0];
	[tilespmem:s28+$0xFFFFFFD0] =	vst v3;
	v4 =	vmul.f32 $3.200000000e+01, v4;
	(pc) =	sbr.rel @p1 .LBB2_12-.Ltmp6, $4  }
0xfd: {  	v3 =	vld [tilespmem:s17+$0xFFFFFFD0];
	v6 =	vmul.f32 $3.200000000e+01, v6;
	[tilespmem:s28+$0xFFFFFFE0] =	vst v2  }
0xfe: {  	v2 =	vld [tilespmem:s17+$0xFFFFFFE0];
	v9 =	vmul.f32 $3.200000000e+01, v9;
	[tilespmem:s28+$0xFFFFFFF0] =	vst v4  }
0xff: {  	v7 =	vmul.f32 $3.200000000e+01, v7;
	v4 =	vld [tilespmem:s17+$0xFFFFFFF0];
	[tilespmem:s28+$0xFFFFFF90] =	vst v6;
	s28 =	smov.u32 s17  }
0x100: {  	s17 =	sadd.s32 $0x400, s17;
	v6 =	vld [tilespmem:s28+$0xFFFFFF90];
	v8 =	vmul.f32 $3.200000000e+01, v8;
	[tilespmem:s28+$0x0] =	vst v9  }
0x101: {  	[tilespmem:s28+$0xFFFFFFA0] =	vst v7;
	v5 =	vmul.f32 $3.200000000e+01, v5;
	s26 =	sadd.s32 $0x1, s26  }
0x102: {  	[tilespmem:s28+$0xFFFFFFB0] =	vst v8;
	v3 =	vmul.f32 $3.200000000e+01, v3;
	p1 =	sne.s32 s26, $0x8  }
.Ltmp7:
0x103: {  	[tilespmem:s28+$0xFFFFFFC0] =	vst v5;
	v2 =	vmul.f32 $3.200000000e+01, v2;
	(pc) =	sbr.rel @p1 .LBB2_11-.Ltmp7, $4  }
0x104: {  	[tilespmem:s28+$0xFFFFFFD0] =	vst v3;
	v3 =	vmul.f32 $3.200000000e+01, v4  }
0x105: {  	v63 =	vmul.f32 $3.200000000e+01, v6;
	[tilespmem:s28+$0xFFFFFFE0] =	vst v2  }
0x106: {  	[tilespmem:s28+$0xFFFFFFF0] =	vst v3  }
0x107: {  	s29 =	sadd.s32 $0x80, s29;
	[tilespmem:s28+$0xFFFFFF90] =	vst v63  }
0x108: {  	s13 =	sadd.s32 $0x800, s22  }
0x109: {  	[hbm4b:s13+s4] =	stream.linear.scatter [tilespmem:s21], [sflag:$0xB], $0x2000, $0x38;
	[tilespmem:$0x12000] =	vst v63  }
0x10a: {  	s13 =	simm.s32 @!p0 $0xA  }
0x10b: {  	_ =	swait.ge @!p0 [sflag:s13], $0x2000  }
0x10c: {  	[sflag:s13] =	ssyncset.done @!p0 $0x0  }
0x10d: {  	[sflag:s13] =	ssyncadd.s32 @!p0 $0xFFFFE000  }
0x10e: {  	v2 =	vld.msk @!p0 [tilespmem:s23+$0x480], $0xff;
	_ =	sdelay $0x4  }
0x10f: {  	v3 =	vshll.u32 @!p0 v2, $0x3  }
0x110: {  	v4 =	vlaneseq.u32 @!p0;
	v2 =	vand.u32 @!p0 $0x7, v2;
	v3 =	vand.u32 @!p0 $0xFFFFFFC0, v3  }
0x111: {  	v2 =	vor.u32 @!p0 v2, v3;
	v3 =	vand.u32 @!p0 $0x7, v4;
	v4 =	vshrl.u32 @!p0 v4, $0x3  }
0x112: {  	v2 =	vperm.xlane @!p0 v2, v3;
	v3 =	vmul.u32 @!p0 $0x8, v4;
	_ =	sdelay $0x1  }
0x113: {  	v2 =	vadd.s32 @!p0 v3, v2;
	_ =	sdelay $0x3  }
0x114: {  	s17 =	simm.s32 @!p0 $0x4000;
	s13 =	simm.s32 @!p0 $0x0  }
0x115: {  	[tilespmem:s17], [sflag:$0x2] =	stream.indirect_vreg.gather @!p0 [hbm4b:s1+s13], $0x80, v2, vm1, $0xb8;
	[tilespmem:$0x12000] =	vst v63  }
0x116: {  	s17 =	simm.s32 @!p0 $0x4800  }
0x117: {  	[tilespmem:s17], [sflag:$0x2] =	stream.indirect_vreg.gather @!p0 [hbm4b:s7+s13], $0x80, v2, vm1, $0xb8;
	[tilespmem:$0x12000] =	vst v63  }
0x118: {  	s17 =	simm.s32 @!p0 $0x5000  }
0x119: {  	[tilespmem:s17], [sflag:$0x2] =	stream.indirect_vreg.gather @!p0 [hbm4b:s8+s13], $0x80, v2, vm1, $0xb8;
	[tilespmem:$0x12000] =	vst v63  }
0x11a: {  	s17 =	simm.s32 @!p0 $0x5800  }
0x11b: {  	[tilespmem:s17], [sflag:$0x2] =	stream.indirect_vreg.gather @!p0 [hbm4b:s9+s13], $0x80, v2, vm1, $0xb8;
	[tilespmem:$0x12000] =	vst v63  }
0x11c: {  	_ =	swait.ge [sflag:s15], $0x2000  }
0x11d: {  	[sflag:s15] =	ssyncset.done $0x0  }
0x11e: {  	s26 =	simm.s32 $0x0;
	s28 =	simm.s32 $0x8070;
	[sflag:s15] =	ssyncadd.s32 $0xFFFFE000  }
.LBB2_15:
0x11f: {  	v4 =	vld [tilespmem:s28+$0x0]  }
0x120: {  	v6 =	vld [tilespmem:s28+$0xFFFFFFA0]  }
0x121: {  	v8 =	vld [tilespmem:s28+$0xFFFFFFB0]  }
0x122: {  	v5 =	vld [tilespmem:s28+$0xFFFFFFC0]  }
0x123: {  	v3 =	vld [tilespmem:s28+$0xFFFFFFD0]  }
0x124: {  	v2 =	vld [tilespmem:s28+$0xFFFFFFE0];
	v9 =	vmul.f32 $3.200000000e+01, v4  }
0x125: {  	v4 =	vld [tilespmem:s28+$0xFFFFFFF0];
	v7 =	vmul.f32 $3.200000000e+01, v6  }
0x126: {  	s13 =	simm.s32 $0x0;
	s17 =	sadd.s32 $0x400, s28;
	s29 =	smov.u32 s28;
	v6 =	vld [tilespmem:s28+$0xFFFFFF90];
	v8 =	vmul.f32 $3.200000000e+01, v8;
	[tilespmem:s28+$0x0] =	vst v9  }
.LBB2_16:
0x127: {  	v9 =	vld [tilespmem:s17+$0x0];
	s13 =	sadd.s32 $0x8, s13;
	[tilespmem:s29+$0xFFFFFFA0] =	vst v7;
	v5 =	vmul.f32 $3.200000000e+01, v5  }
0x128: {  	v7 =	vld [tilespmem:s17+$0xFFFFFFA0];
	p1 =	slt.u32 s13, $0x38;
	[tilespmem:s29+$0xFFFFFFB0] =	vst v8;
	v3 =	vmul.f32 $3.200000000e+01, v3  }
0x129: {  	v8 =	vld [tilespmem:s17+$0xFFFFFFB0];
	[tilespmem:s29+$0xFFFFFFC0] =	vst v5;
	v2 =	vmul.f32 $3.200000000e+01, v2  }
.Ltmp8:
0x12a: {  	v5 =	vld [tilespmem:s17+$0xFFFFFFC0];
	[tilespmem:s29+$0xFFFFFFD0] =	vst v3;
	v4 =	vmul.f32 $3.200000000e+01, v4;
	(pc) =	sbr.rel @p1 .LBB2_16-.Ltmp8, $4  }
0x12b: {  	v3 =	vld [tilespmem:s17+$0xFFFFFFD0];
	v6 =	vmul.f32 $3.200000000e+01, v6;
	[tilespmem:s29+$0xFFFFFFE0] =	vst v2  }
0x12c: {  	v2 =	vld [tilespmem:s17+$0xFFFFFFE0];
	v9 =	vmul.f32 $3.200000000e+01, v9;
	[tilespmem:s29+$0xFFFFFFF0] =	vst v4  }
0x12d: {  	v7 =	vmul.f32 $3.200000000e+01, v7;
	v4 =	vld [tilespmem:s17+$0xFFFFFFF0];
	[tilespmem:s29+$0xFFFFFF90] =	vst v6;
	s29 =	smov.u32 s17  }
0x12e: {  	s17 =	sadd.s32 $0x400, s17;
	v6 =	vld [tilespmem:s29+$0xFFFFFF90];
	v8 =	vmul.f32 $3.200000000e+01, v8;
	[tilespmem:s29+$0x0] =	vst v9  }
0x12f: {  	[tilespmem:s29+$0xFFFFFFA0] =	vst v7;
	v5 =	vmul.f32 $3.200000000e+01, v5;
	s26 =	sadd.s32 $0x1, s26  }
0x130: {  	[tilespmem:s29+$0xFFFFFFB0] =	vst v8;
	v3 =	vmul.f32 $3.200000000e+01, v3;
	p1 =	sne.s32 s26, $0x8  }
.Ltmp9:
0x131: {  	[tilespmem:s29+$0xFFFFFFC0] =	vst v5;
	v2 =	vmul.f32 $3.200000000e+01, v2;
	(pc) =	sbr.rel @p1 .LBB2_15-.Ltmp9, $4  }
0x132: {  	[tilespmem:s29+$0xFFFFFFD0] =	vst v3;
	v3 =	vmul.f32 $3.200000000e+01, v4  }
0x133: {  	v63 =	vmul.f32 $3.200000000e+01, v6;
	[tilespmem:s29+$0xFFFFFFE0] =	vst v2  }
0x134: {  	[tilespmem:s29+$0xFFFFFFF0] =	vst v3  }
0x135: {  	s28 =	sadd.s32 $0x80, s28;
	[tilespmem:s29+$0xFFFFFF90] =	vst v63  }
0x136: {  	s13 =	sadd.s32 $0xC00, s22  }
0x137: {  	[hbm4b:s13+s4] =	stream.linear.scatter [tilespmem:s25], [sflag:$0xC], $0x2000, $0x38;
	[tilespmem:$0x12000] =	vst v63  }
0x138: {  	s13 =	simm.s32 @!p0 $0xB  }
0x139: {  	_ =	swait.ge @!p0 [sflag:s13], $0x2000  }
0x13a: {  	[sflag:s13] =	ssyncset.done @!p0 $0x0  }
0x13b: {  	[sflag:s13] =	ssyncadd.s32 @!p0 $0xFFFFE000  }
0x13c: {  	v2 =	vld.msk @!p0 [tilespmem:s23+$0x500], $0xff;
	_ =	sdelay $0x4  }
0x13d: {  	v3 =	vshll.u32 @!p0 v2, $0x3  }
0x13e: {  	v4 =	vlaneseq.u32 @!p0;
	v2 =	vand.u32 @!p0 $0x7, v2;
	v3 =	vand.u32 @!p0 $0xFFFFFFC0, v3  }
0x13f: {  	v2 =	vor.u32 @!p0 v2, v3;
	v3 =	vand.u32 @!p0 $0x7, v4;
	v4 =	vshrl.u32 @!p0 v4, $0x3  }
0x140: {  	v2 =	vperm.xlane @!p0 v2, v3;
	v3 =	vmul.u32 @!p0 $0x8, v4;
	_ =	sdelay $0x1  }
0x141: {  	v2 =	vadd.s32 @!p0 v3, v2;
	_ =	sdelay $0x3  }
0x142: {  	s17 =	simm.s32 @!p0 $0x6000;
	s13 =	simm.s32 @!p0 $0x0  }
0x143: {  	[tilespmem:s17], [sflag:$0x3] =	stream.indirect_vreg.gather @!p0 [hbm4b:s1+s13], $0x80, v2, vm1, $0xb8;
	[tilespmem:$0x12000] =	vst v63  }
0x144: {  	s17 =	simm.s32 @!p0 $0x6800  }
0x145: {  	[tilespmem:s17], [sflag:$0x3] =	stream.indirect_vreg.gather @!p0 [hbm4b:s7+s13], $0x80, v2, vm1, $0xb8;
	[tilespmem:$0x12000] =	vst v63  }
0x146: {  	s17 =	simm.s32 @!p0 $0x7000  }
0x147: {  	[tilespmem:s17], [sflag:$0x3] =	stream.indirect_vreg.gather @!p0 [hbm4b:s8+s13], $0x80, v2, vm1, $0xb8;
	[tilespmem:$0x12000] =	vst v63  }
0x148: {  	s17 =	simm.s32 @!p0 $0x7800  }
0x149: {  	[tilespmem:s17], [sflag:$0x3] =	stream.indirect_vreg.gather @!p0 [hbm4b:s9+s13], $0x80, v2, vm1, $0xb8;
	[tilespmem:$0x12000] =	vst v63  }
0x14a: {  	_ =	swait.ge [sflag:s16], $0x2000  }
0x14b: {  	[sflag:s16] =	ssyncset.done $0x0  }
0x14c: {  	s26 =	simm.s32 $0x0;
	s28 =	simm.s32 $0xA070;
	[sflag:s16] =	ssyncadd.s32 $0xFFFFE000  }
.LBB2_19:
0x14d: {  	v4 =	vld [tilespmem:s28+$0x0]  }
0x14e: {  	v6 =	vld [tilespmem:s28+$0xFFFFFFA0]  }
0x14f: {  	v8 =	vld [tilespmem:s28+$0xFFFFFFB0]  }
0x150: {  	v5 =	vld [tilespmem:s28+$0xFFFFFFC0]  }
0x151: {  	v3 =	vld [tilespmem:s28+$0xFFFFFFD0]  }
0x152: {  	v2 =	vld [tilespmem:s28+$0xFFFFFFE0];
	v9 =	vmul.f32 $3.200000000e+01, v4  }
0x153: {  	v4 =	vld [tilespmem:s28+$0xFFFFFFF0];
	v7 =	vmul.f32 $3.200000000e+01, v6  }
0x154: {  	s13 =	simm.s32 $0x0;
	s17 =	sadd.s32 $0x400, s28;
	s29 =	smov.u32 s28;
	v6 =	vld [tilespmem:s28+$0xFFFFFF90];
	v8 =	vmul.f32 $3.200000000e+01, v8;
	[tilespmem:s28+$0x0] =	vst v9  }
.LBB2_20:
0x155: {  	v9 =	vld [tilespmem:s17+$0x0];
	s13 =	sadd.s32 $0x8, s13;
	[tilespmem:s29+$0xFFFFFFA0] =	vst v7;
	v5 =	vmul.f32 $3.200000000e+01, v5  }
0x156: {  	v7 =	vld [tilespmem:s17+$0xFFFFFFA0];
	p1 =	slt.u32 s13, $0x38;
	[tilespmem:s29+$0xFFFFFFB0] =	vst v8;
	v3 =	vmul.f32 $3.200000000e+01, v3  }
0x157: {  	v8 =	vld [tilespmem:s17+$0xFFFFFFB0];
	[tilespmem:s29+$0xFFFFFFC0] =	vst v5;
	v2 =	vmul.f32 $3.200000000e+01, v2  }
.Ltmp10:
0x158: {  	v5 =	vld [tilespmem:s17+$0xFFFFFFC0];
	[tilespmem:s29+$0xFFFFFFD0] =	vst v3;
	v4 =	vmul.f32 $3.200000000e+01, v4;
	(pc) =	sbr.rel @p1 .LBB2_20-.Ltmp10, $4  }
0x159: {  	v3 =	vld [tilespmem:s17+$0xFFFFFFD0];
	v6 =	vmul.f32 $3.200000000e+01, v6;
	[tilespmem:s29+$0xFFFFFFE0] =	vst v2  }
0x15a: {  	v2 =	vld [tilespmem:s17+$0xFFFFFFE0];
	v9 =	vmul.f32 $3.200000000e+01, v9;
	[tilespmem:s29+$0xFFFFFFF0] =	vst v4  }
0x15b: {  	v7 =	vmul.f32 $3.200000000e+01, v7;
	v4 =	vld [tilespmem:s17+$0xFFFFFFF0];
	[tilespmem:s29+$0xFFFFFF90] =	vst v6;
	s29 =	smov.u32 s17  }
0x15c: {  	s17 =	sadd.s32 $0x400, s17;
	v6 =	vld [tilespmem:s29+$0xFFFFFF90];
	v8 =	vmul.f32 $3.200000000e+01, v8;
	[tilespmem:s29+$0x0] =	vst v9  }
0x15d: {  	[tilespmem:s29+$0xFFFFFFA0] =	vst v7;
	v5 =	vmul.f32 $3.200000000e+01, v5;
	s26 =	sadd.s32 $0x1, s26  }
0x15e: {  	[tilespmem:s29+$0xFFFFFFB0] =	vst v8;
	v3 =	vmul.f32 $3.200000000e+01, v3;
	p1 =	sne.s32 s26, $0x8  }
.Ltmp11:
0x15f: {  	[tilespmem:s29+$0xFFFFFFC0] =	vst v5;
	v2 =	vmul.f32 $3.200000000e+01, v2;
	(pc) =	sbr.rel @p1 .LBB2_19-.Ltmp11, $4  }
0x160: {  	[tilespmem:s29+$0xFFFFFFD0] =	vst v3;
	v3 =	vmul.f32 $3.200000000e+01, v4  }
0x161: {  	v63 =	vmul.f32 $3.200000000e+01, v6;
	[tilespmem:s29+$0xFFFFFFE0] =	vst v2  }
0x162: {  	[tilespmem:s29+$0xFFFFFFF0] =	vst v3  }
0x163: {  	s28 =	sadd.s32 $0x80, s28;
	[tilespmem:s29+$0xFFFFFF90] =	vst v63  }
0x164: {  	s13 =	sadd.s32 $0x1000, s22  }
0x165: {  	[hbm4b:s13+s4] =	stream.linear.scatter [tilespmem:s30], [sflag:$0xD], $0x2000, $0x38;
	[tilespmem:$0x12000] =	vst v63  }
0x166: {  	s13 =	simm.s32 @!p0 $0xC  }
0x167: {  	_ =	swait.ge @!p0 [sflag:s13], $0x2000  }
0x168: {  	[sflag:s13] =	ssyncset.done @!p0 $0x0  }
0x169: {  	[sflag:s13] =	ssyncadd.s32 @!p0 $0xFFFFE000  }
0x16a: {  	v2 =	vld.msk @!p0 [tilespmem:s23+$0x580], $0xff;
	_ =	sdelay $0x4  }
0x16b: {  	v3 =	vshll.u32 @!p0 v2, $0x3  }
0x16c: {  	v4 =	vlaneseq.u32 @!p0;
	v2 =	vand.u32 @!p0 $0x7, v2;
	v3 =	vand.u32 @!p0 $0xFFFFFFC0, v3  }
0x16d: {  	v2 =	vor.u32 @!p0 v2, v3;
	v3 =	vand.u32 @!p0 $0x7, v4;
	v4 =	vshrl.u32 @!p0 v4, $0x3  }
0x16e: {  	v2 =	vperm.xlane @!p0 v2, v3;
	v3 =	vmul.u32 @!p0 $0x8, v4;
	_ =	sdelay $0x1  }
0x16f: {  	v2 =	vadd.s32 @!p0 v3, v2;
	_ =	sdelay $0x3  }
0x170: {  	s17 =	simm.s32 @!p0 $0x8000;
	s13 =	simm.s32 @!p0 $0x0  }
0x171: {  	[tilespmem:s17], [sflag:$0x4] =	stream.indirect_vreg.gather @!p0 [hbm4b:s1+s13], $0x80, v2, vm1, $0xb8;
	[tilespmem:$0x12000] =	vst v63  }
0x172: {  	s17 =	simm.s32 @!p0 $0x8800  }
0x173: {  	[tilespmem:s17], [sflag:$0x4] =	stream.indirect_vreg.gather @!p0 [hbm4b:s7+s13], $0x80, v2, vm1, $0xb8;
	[tilespmem:$0x12000] =	vst v63  }
0x174: {  	s17 =	simm.s32 @!p0 $0x9000  }
0x175: {  	[tilespmem:s17], [sflag:$0x4] =	stream.indirect_vreg.gather @!p0 [hbm4b:s8+s13], $0x80, v2, vm1, $0xb8;
	[tilespmem:$0x12000] =	vst v63  }
0x176: {  	s17 =	simm.s32 @!p0 $0x9800  }
0x177: {  	[tilespmem:s17], [sflag:$0x4] =	stream.indirect_vreg.gather @!p0 [hbm4b:s9+s13], $0x80, v2, vm1, $0xb8;
	[tilespmem:$0x12000] =	vst v63  }
0x178: {  	_ =	swait.ge [sflag:s18], $0x2000  }
0x179: {  	[sflag:s18] =	ssyncset.done $0x0  }
0x17a: {  	s26 =	simm.s32 $0x0;
	s28 =	simm.s32 $0xC070;
	[sflag:s18] =	ssyncadd.s32 $0xFFFFE000  }
.LBB2_23:
0x17b: {  	v4 =	vld [tilespmem:s28+$0x0]  }
0x17c: {  	v6 =	vld [tilespmem:s28+$0xFFFFFFA0]  }
0x17d: {  	v8 =	vld [tilespmem:s28+$0xFFFFFFB0]  }
0x17e: {  	v5 =	vld [tilespmem:s28+$0xFFFFFFC0]  }
0x17f: {  	v3 =	vld [tilespmem:s28+$0xFFFFFFD0]  }
0x180: {  	v2 =	vld [tilespmem:s28+$0xFFFFFFE0];
	v9 =	vmul.f32 $3.200000000e+01, v4  }
0x181: {  	v4 =	vld [tilespmem:s28+$0xFFFFFFF0];
	v7 =	vmul.f32 $3.200000000e+01, v6  }
0x182: {  	s13 =	simm.s32 $0x0;
	s17 =	sadd.s32 $0x400, s28;
	s29 =	smov.u32 s28;
	v6 =	vld [tilespmem:s28+$0xFFFFFF90];
	v8 =	vmul.f32 $3.200000000e+01, v8;
	[tilespmem:s28+$0x0] =	vst v9  }
.LBB2_24:
0x183: {  	v9 =	vld [tilespmem:s17+$0x0];
	s13 =	sadd.s32 $0x8, s13;
	[tilespmem:s29+$0xFFFFFFA0] =	vst v7;
	v5 =	vmul.f32 $3.200000000e+01, v5  }
0x184: {  	v7 =	vld [tilespmem:s17+$0xFFFFFFA0];
	p1 =	slt.u32 s13, $0x38;
	[tilespmem:s29+$0xFFFFFFB0] =	vst v8;
	v3 =	vmul.f32 $3.200000000e+01, v3  }
0x185: {  	v8 =	vld [tilespmem:s17+$0xFFFFFFB0];
	[tilespmem:s29+$0xFFFFFFC0] =	vst v5;
	v2 =	vmul.f32 $3.200000000e+01, v2  }
.Ltmp12:
0x186: {  	v5 =	vld [tilespmem:s17+$0xFFFFFFC0];
	[tilespmem:s29+$0xFFFFFFD0] =	vst v3;
	v4 =	vmul.f32 $3.200000000e+01, v4;
	(pc) =	sbr.rel @p1 .LBB2_24-.Ltmp12, $4  }
0x187: {  	v3 =	vld [tilespmem:s17+$0xFFFFFFD0];
	v6 =	vmul.f32 $3.200000000e+01, v6;
	[tilespmem:s29+$0xFFFFFFE0] =	vst v2  }
0x188: {  	v2 =	vld [tilespmem:s17+$0xFFFFFFE0];
	v9 =	vmul.f32 $3.200000000e+01, v9;
	[tilespmem:s29+$0xFFFFFFF0] =	vst v4  }
0x189: {  	v7 =	vmul.f32 $3.200000000e+01, v7;
	v4 =	vld [tilespmem:s17+$0xFFFFFFF0];
	[tilespmem:s29+$0xFFFFFF90] =	vst v6;
	s29 =	smov.u32 s17  }
0x18a: {  	s17 =	sadd.s32 $0x400, s17;
	v6 =	vld [tilespmem:s29+$0xFFFFFF90];
	v8 =	vmul.f32 $3.200000000e+01, v8;
	[tilespmem:s29+$0x0] =	vst v9  }
0x18b: {  	[tilespmem:s29+$0xFFFFFFA0] =	vst v7;
	v5 =	vmul.f32 $3.200000000e+01, v5;
	s26 =	sadd.s32 $0x1, s26  }
0x18c: {  	[tilespmem:s29+$0xFFFFFFB0] =	vst v8;
	v3 =	vmul.f32 $3.200000000e+01, v3;
	p1 =	sne.s32 s26, $0x8  }
.Ltmp13:
0x18d: {  	[tilespmem:s29+$0xFFFFFFC0] =	vst v5;
	v2 =	vmul.f32 $3.200000000e+01, v2;
	(pc) =	sbr.rel @p1 .LBB2_23-.Ltmp13, $4  }
0x18e: {  	[tilespmem:s29+$0xFFFFFFD0] =	vst v3;
	v3 =	vmul.f32 $3.200000000e+01, v4  }
0x18f: {  	v63 =	vmul.f32 $3.200000000e+01, v6;
	[tilespmem:s29+$0xFFFFFFE0] =	vst v2  }
0x190: {  	[tilespmem:s29+$0xFFFFFFF0] =	vst v3  }
0x191: {  	s28 =	sadd.s32 $0x80, s28;
	[tilespmem:s29+$0xFFFFFF90] =	vst v63  }
0x192: {  	s13 =	sadd.s32 $0x1400, s22  }
0x193: {  	[hbm4b:s13+s4] =	stream.linear.scatter [tilespmem:s14], [sflag:$0xE], $0x2000, $0x38;
	[tilespmem:$0x12000] =	vst v63  }
0x194: {  	s13 =	simm.s32 @!p0 $0xD  }
0x195: {  	_ =	swait.ge @!p0 [sflag:s13], $0x2000  }
0x196: {  	[sflag:s13] =	ssyncset.done @!p0 $0x0  }
0x197: {  	[sflag:s13] =	ssyncadd.s32 @!p0 $0xFFFFE000  }
0x198: {  	v2 =	vld.msk @!p0 [tilespmem:s23+$0x600], $0xff;
	_ =	sdelay $0x4  }
0x199: {  	v3 =	vshll.u32 @!p0 v2, $0x3  }
0x19a: {  	v4 =	vlaneseq.u32 @!p0;
	v2 =	vand.u32 @!p0 $0x7, v2;
	v3 =	vand.u32 @!p0 $0xFFFFFFC0, v3  }
0x19b: {  	v2 =	vor.u32 @!p0 v2, v3;
	v3 =	vand.u32 @!p0 $0x7, v4;
	v4 =	vshrl.u32 @!p0 v4, $0x3  }
0x19c: {  	v2 =	vperm.xlane @!p0 v2, v3;
	v3 =	vmul.u32 @!p0 $0x8, v4;
	_ =	sdelay $0x1  }
0x19d: {  	v2 =	vadd.s32 @!p0 v3, v2;
	_ =	sdelay $0x3  }
0x19e: {  	s17 =	simm.s32 @!p0 $0xA000;
	s13 =	simm.s32 @!p0 $0x0  }
0x19f: {  	[tilespmem:s17], [sflag:$0x5] =	stream.indirect_vreg.gather @!p0 [hbm4b:s1+s13], $0x80, v2, vm1, $0xb8;
	[tilespmem:$0x12000] =	vst v63  }
0x1a0: {  	s17 =	simm.s32 @!p0 $0xA800  }
0x1a1: {  	[tilespmem:s17], [sflag:$0x5] =	stream.indirect_vreg.gather @!p0 [hbm4b:s7+s13], $0x80, v2, vm1, $0xb8;
	[tilespmem:$0x12000] =	vst v63  }
0x1a2: {  	s17 =	simm.s32 @!p0 $0xB000  }
0x1a3: {  	[tilespmem:s17], [sflag:$0x5] =	stream.indirect_vreg.gather @!p0 [hbm4b:s8+s13], $0x80, v2, vm1, $0xb8;
	[tilespmem:$0x12000] =	vst v63  }
0x1a4: {  	s17 =	simm.s32 @!p0 $0xB800  }
0x1a5: {  	[tilespmem:s17], [sflag:$0x5] =	stream.indirect_vreg.gather @!p0 [hbm4b:s9+s13], $0x80, v2, vm1, $0xb8;
	[tilespmem:$0x12000] =	vst v63  }
0x1a6: {  	_ =	swait.ge [sflag:s6], $0x2000  }
0x1a7: {  	[sflag:s6] =	ssyncset.done $0x0  }
0x1a8: {  	s26 =	simm.s32 $0x0;
	s28 =	simm.s32 $0xE070;
	[sflag:s6] =	ssyncadd.s32 $0xFFFFE000  }
.LBB2_27:
0x1a9: {  	v4 =	vld [tilespmem:s28+$0x0]  }
0x1aa: {  	v6 =	vld [tilespmem:s28+$0xFFFFFFA0]  }
0x1ab: {  	v8 =	vld [tilespmem:s28+$0xFFFFFFB0]  }
0x1ac: {  	v5 =	vld [tilespmem:s28+$0xFFFFFFC0]  }
0x1ad: {  	v3 =	vld [tilespmem:s28+$0xFFFFFFD0]  }
0x1ae: {  	v2 =	vld [tilespmem:s28+$0xFFFFFFE0];
	v9 =	vmul.f32 $3.200000000e+01, v4  }
0x1af: {  	v4 =	vld [tilespmem:s28+$0xFFFFFFF0];
	v7 =	vmul.f32 $3.200000000e+01, v6  }
0x1b0: {  	s13 =	simm.s32 $0x0;
	s17 =	sadd.s32 $0x400, s28;
	s29 =	smov.u32 s28;
	v6 =	vld [tilespmem:s28+$0xFFFFFF90];
	v8 =	vmul.f32 $3.200000000e+01, v8;
	[tilespmem:s28+$0x0] =	vst v9  }
.LBB2_28:
0x1b1: {  	v9 =	vld [tilespmem:s17+$0x0];
	s13 =	sadd.s32 $0x8, s13;
	[tilespmem:s29+$0xFFFFFFA0] =	vst v7;
	v5 =	vmul.f32 $3.200000000e+01, v5  }
0x1b2: {  	v7 =	vld [tilespmem:s17+$0xFFFFFFA0];
	p1 =	slt.u32 s13, $0x38;
	[tilespmem:s29+$0xFFFFFFB0] =	vst v8;
	v3 =	vmul.f32 $3.200000000e+01, v3  }
0x1b3: {  	v8 =	vld [tilespmem:s17+$0xFFFFFFB0];
	[tilespmem:s29+$0xFFFFFFC0] =	vst v5;
	v2 =	vmul.f32 $3.200000000e+01, v2  }
.Ltmp14:
0x1b4: {  	v5 =	vld [tilespmem:s17+$0xFFFFFFC0];
	[tilespmem:s29+$0xFFFFFFD0] =	vst v3;
	v4 =	vmul.f32 $3.200000000e+01, v4;
	(pc) =	sbr.rel @p1 .LBB2_28-.Ltmp14, $4  }
0x1b5: {  	v3 =	vld [tilespmem:s17+$0xFFFFFFD0];
	v6 =	vmul.f32 $3.200000000e+01, v6;
	[tilespmem:s29+$0xFFFFFFE0] =	vst v2  }
0x1b6: {  	v2 =	vld [tilespmem:s17+$0xFFFFFFE0];
	v9 =	vmul.f32 $3.200000000e+01, v9;
	[tilespmem:s29+$0xFFFFFFF0] =	vst v4  }
0x1b7: {  	v7 =	vmul.f32 $3.200000000e+01, v7;
	v4 =	vld [tilespmem:s17+$0xFFFFFFF0];
	[tilespmem:s29+$0xFFFFFF90] =	vst v6;
	s29 =	smov.u32 s17  }
0x1b8: {  	s17 =	sadd.s32 $0x400, s17;
	v6 =	vld [tilespmem:s29+$0xFFFFFF90];
	v8 =	vmul.f32 $3.200000000e+01, v8;
	[tilespmem:s29+$0x0] =	vst v9  }
0x1b9: {  	[tilespmem:s29+$0xFFFFFFA0] =	vst v7;
	v5 =	vmul.f32 $3.200000000e+01, v5;
	s26 =	sadd.s32 $0x1, s26  }
0x1ba: {  	[tilespmem:s29+$0xFFFFFFB0] =	vst v8;
	v3 =	vmul.f32 $3.200000000e+01, v3;
	p1 =	sne.s32 s26, $0x8  }
.Ltmp15:
0x1bb: {  	[tilespmem:s29+$0xFFFFFFC0] =	vst v5;
	v2 =	vmul.f32 $3.200000000e+01, v2;
	(pc) =	sbr.rel @p1 .LBB2_27-.Ltmp15, $4  }
0x1bc: {  	[tilespmem:s29+$0xFFFFFFD0] =	vst v3;
	v3 =	vmul.f32 $3.200000000e+01, v4  }
0x1bd: {  	v63 =	vmul.f32 $3.200000000e+01, v6;
	[tilespmem:s29+$0xFFFFFFE0] =	vst v2  }
0x1be: {  	[tilespmem:s29+$0xFFFFFFF0] =	vst v3  }
0x1bf: {  	s28 =	sadd.s32 $0x80, s28;
	[tilespmem:s29+$0xFFFFFF90] =	vst v63  }
0x1c0: {  	s13 =	sadd.s32 $0x1800, s22  }
0x1c1: {  	[hbm4b:s13+s4] =	stream.linear.scatter [tilespmem:s19], [sflag:$0xF], $0x2000, $0x38;
	[tilespmem:$0x12000] =	vst v63  }
0x1c2: {  	s13 =	simm.s32 @!p0 $0xE  }
0x1c3: {  	_ =	swait.ge @!p0 [sflag:s13], $0x2000  }
0x1c4: {  	[sflag:s13] =	ssyncset.done @!p0 $0x0  }
0x1c5: {  	[sflag:s13] =	ssyncadd.s32 @!p0 $0xFFFFE000  }
0x1c6: {  	v2 =	vld.msk @!p0 [tilespmem:s23+$0x680], $0xff;
	_ =	sdelay $0x4  }
0x1c7: {  	v3 =	vshll.u32 @!p0 v2, $0x3  }
0x1c8: {  	v4 =	vlaneseq.u32 @!p0;
	v2 =	vand.u32 @!p0 $0x7, v2;
	v3 =	vand.u32 @!p0 $0xFFFFFFC0, v3  }
0x1c9: {  	v2 =	vor.u32 @!p0 v2, v3;
	v3 =	vand.u32 @!p0 $0x7, v4;
	v4 =	vshrl.u32 @!p0 v4, $0x3  }
0x1ca: {  	v2 =	vperm.xlane @!p0 v2, v3;
	v3 =	vmul.u32 @!p0 $0x8, v4;
	_ =	sdelay $0x1  }
0x1cb: {  	v2 =	vadd.s32 @!p0 v3, v2;
	_ =	sdelay $0x3  }
0x1cc: {  	s17 =	simm.s32 @!p0 $0xC000;
	s13 =	simm.s32 @!p0 $0x0  }
0x1cd: {  	[tilespmem:s17], [sflag:$0x6] =	stream.indirect_vreg.gather @!p0 [hbm4b:s1+s13], $0x80, v2, vm1, $0xb8;
	[tilespmem:$0x12000] =	vst v63  }
0x1ce: {  	s17 =	simm.s32 @!p0 $0xC800  }
0x1cf: {  	[tilespmem:s17], [sflag:$0x6] =	stream.indirect_vreg.gather @!p0 [hbm4b:s7+s13], $0x80, v2, vm1, $0xb8;
	[tilespmem:$0x12000] =	vst v63  }
0x1d0: {  	s17 =	simm.s32 @!p0 $0xD000  }
0x1d1: {  	[tilespmem:s17], [sflag:$0x6] =	stream.indirect_vreg.gather @!p0 [hbm4b:s8+s13], $0x80, v2, vm1, $0xb8;
	[tilespmem:$0x12000] =	vst v63  }
0x1d2: {  	s17 =	simm.s32 @!p0 $0xD800  }
0x1d3: {  	[tilespmem:s17], [sflag:$0x6] =	stream.indirect_vreg.gather @!p0 [hbm4b:s9+s13], $0x80, v2, vm1, $0xb8;
	[tilespmem:$0x12000] =	vst v63  }
0x1d4: {  	_ =	swait.ge [sflag:s11], $0x2000  }
0x1d5: {  	[sflag:s11] =	ssyncset.done $0x0  }
0x1d6: {  	s26 =	simm.s32 $0x10070;
	s23 =	simm.s32 $0x0;
	[sflag:s11] =	ssyncadd.s32 $0xFFFFE000  }
.LBB2_31:
0x1d7: {  	v4 =	vld [tilespmem:s26+$0x0]  }
0x1d8: {  	v6 =	vld [tilespmem:s26+$0xFFFFFFA0]  }
0x1d9: {  	v8 =	vld [tilespmem:s26+$0xFFFFFFB0]  }
0x1da: {  	v5 =	vld [tilespmem:s26+$0xFFFFFFC0]  }
0x1db: {  	v3 =	vld [tilespmem:s26+$0xFFFFFFD0]  }
0x1dc: {  	v2 =	vld [tilespmem:s26+$0xFFFFFFE0];
	v9 =	vmul.f32 $3.200000000e+01, v4  }
0x1dd: {  	v4 =	vld [tilespmem:s26+$0xFFFFFFF0];
	v7 =	vmul.f32 $3.200000000e+01, v6  }
0x1de: {  	s13 =	simm.s32 $0x0;
	s17 =	sadd.s32 $0x400, s26;
	s28 =	smov.u32 s26;
	v6 =	vld [tilespmem:s26+$0xFFFFFF90];
	v8 =	vmul.f32 $3.200000000e+01, v8;
	[tilespmem:s26+$0x0] =	vst v9  }
.LBB2_32:
0x1df: {  	v9 =	vld [tilespmem:s17+$0x0];
	s13 =	sadd.s32 $0x8, s13;
	[tilespmem:s28+$0xFFFFFFA0] =	vst v7;
	v5 =	vmul.f32 $3.200000000e+01, v5  }
0x1e0: {  	v7 =	vld [tilespmem:s17+$0xFFFFFFA0];
	p1 =	slt.u32 s13, $0x38;
	[tilespmem:s28+$0xFFFFFFB0] =	vst v8;
	v3 =	vmul.f32 $3.200000000e+01, v3  }
0x1e1: {  	v8 =	vld [tilespmem:s17+$0xFFFFFFB0];
	[tilespmem:s28+$0xFFFFFFC0] =	vst v5;
	v2 =	vmul.f32 $3.200000000e+01, v2  }
.Ltmp16:
0x1e2: {  	v5 =	vld [tilespmem:s17+$0xFFFFFFC0];
	[tilespmem:s28+$0xFFFFFFD0] =	vst v3;
	v4 =	vmul.f32 $3.200000000e+01, v4;
	(pc) =	sbr.rel @p1 .LBB2_32-.Ltmp16, $4  }
0x1e3: {  	v3 =	vld [tilespmem:s17+$0xFFFFFFD0];
	v6 =	vmul.f32 $3.200000000e+01, v6;
	[tilespmem:s28+$0xFFFFFFE0] =	vst v2  }
0x1e4: {  	v2 =	vld [tilespmem:s17+$0xFFFFFFE0];
	v9 =	vmul.f32 $3.200000000e+01, v9;
	[tilespmem:s28+$0xFFFFFFF0] =	vst v4  }
0x1e5: {  	v7 =	vmul.f32 $3.200000000e+01, v7;
	v4 =	vld [tilespmem:s17+$0xFFFFFFF0];
	[tilespmem:s28+$0xFFFFFF90] =	vst v6;
	s28 =	smov.u32 s17  }
0x1e6: {  	s17 =	sadd.s32 $0x400, s17;
	v6 =	vld [tilespmem:s28+$0xFFFFFF90];
	v8 =	vmul.f32 $3.200000000e+01, v8;
	[tilespmem:s28+$0x0] =	vst v9  }
0x1e7: {  	[tilespmem:s28+$0xFFFFFFA0] =	vst v7;
	v5 =	vmul.f32 $3.200000000e+01, v5;
	s23 =	sadd.s32 $0x1, s23  }
0x1e8: {  	[tilespmem:s28+$0xFFFFFFB0] =	vst v8;
	v3 =	vmul.f32 $3.200000000e+01, v3;
	p1 =	sne.s32 s23, $0x8  }
.Ltmp17:
0x1e9: {  	[tilespmem:s28+$0xFFFFFFC0] =	vst v5;
	v2 =	vmul.f32 $3.200000000e+01, v2;
	(pc) =	sbr.rel @p1 .LBB2_31-.Ltmp17, $4  }
0x1ea: {  	[tilespmem:s28+$0xFFFFFFD0] =	vst v3;
	v3 =	vmul.f32 $3.200000000e+01, v4  }
0x1eb: {  	v63 =	vmul.f32 $3.200000000e+01, v6;
	[tilespmem:s28+$0xFFFFFFE0] =	vst v2  }
0x1ec: {  	[tilespmem:s28+$0xFFFFFFF0] =	vst v3  }
0x1ed: {  	s26 =	sadd.s32 $0x80, s26;
	[tilespmem:s28+$0xFFFFFF90] =	vst v63  }
.Ltmp18:
0x1ee: {  	(pc) =	sbr.rel @p0 .LBB2_36-.Ltmp18, $3  }
0x1ef: {  	_ =	sdelay $0x1  }
0x1f0: {  	s13 =	sadd.s32 $0x1C00, s22  }
0x1f1: {  	[hbm4b:s13+s4] =	stream.linear.scatter [tilespmem:s24], [sflag:$0x10], $0x2000, $0x38;
	[tilespmem:$0x12000] =	vst v63  }
0x1f2: {  	_ =	swait.ge [sflag:s12], $0x2000  }
0x1f3: {  	s13 =	sshll.u32 s20, $0xA;
	[sflag:s12] =	ssyncset.done $0x0  }
0x1f4: {  	s13 =	sand.u32 $0x3FFFFC00, s13;
	[sflag:s12] =	ssyncadd.s32 $0xFFFFE000  }
0x1f5: {  	v2 =	vld.msk [tilespmem:s13+$0x700], $0xff;
	_ =	sdelay $0x4  }
0x1f6: {  	v3 =	vshll.u32 v2, $0x3  }
0x1f7: {  	v2 =	vand.u32 $0x7, v2;
	v3 =	vand.u32 $0xFFFFFFC0, v3  }
0x1f8: {  	v2 =	vor.u32 v2, v3  }
0x1f9: {  	v2 =	vperm.xlane v2, v0;
	_ =	sdelay $0x1  }
0x1fa: {  	v2 =	vadd.s32 v1, v2;
	_ =	sdelay $0x4  }
0x1fb: {  	[tilespmem:s19], [sflag:$0x7] =	stream.indirect_vreg.gather [hbm4b:s1+s4], $0x80, v2, vm0, $0xb8;
	[tilespmem:$0x12000] =	vst v63  }
0x1fc: {  	s17 =	simm.s32 $0xE800  }
0x1fd: {  	[tilespmem:s17], [sflag:$0x7] =	stream.indirect_vreg.gather [hbm4b:s7+s4], $0x80, v2, vm0, $0xb8;
	[tilespmem:$0x12000] =	vst v63  }
0x1fe: {  	s22 =	simm.s32 $0xF000  }
0x1ff: {  	[tilespmem:s22], [sflag:$0x7] =	stream.indirect_vreg.gather [hbm4b:s8+s4], $0x80, v2, vm0, $0xb8;
	[tilespmem:$0x12000] =	vst v63  }
0x200: {  	s23 =	simm.s32 $0xF800  }
0x201: {  	[tilespmem:s23], [sflag:$0x7] =	stream.indirect_vreg.gather [hbm4b:s9+s4], $0x80, v2, vm0, $0xb8;
	[tilespmem:$0x12000] =	vst v63  }
0x202: {  	_ =	swait.ge [sflag:s2], $0x2000  }
0x203: {  	[sflag:s2] =	ssyncset.done $0x0  }
0x204: {  	[sflag:s2] =	ssyncadd.s32 $0xFFFFE000  }
0x205: {  	v2 =	vld.msk [tilespmem:s13+$0x780], $0xff;
	_ =	sdelay $0x4  }
0x206: {  	v3 =	vshll.u32 v2, $0x3  }
0x207: {  	v2 =	vand.u32 $0x7, v2;
	v3 =	vand.u32 $0xFFFFFFC0, v3  }
0x208: {  	v2 =	vor.u32 v2, v3  }
0x209: {  	v2 =	vperm.xlane v2, v0;
	_ =	sdelay $0x1  }
0x20a: {  	v2 =	vadd.s32 v1, v2;
	_ =	sdelay $0x4  }
0x20b: {  	[tilespmem:s24], [sflag:$0x8] =	stream.indirect_vreg.gather [hbm4b:s1+s4], $0x80, v2, vm0, $0xb8;
	[tilespmem:$0x12000] =	vst v63  }
0x20c: {  	s26 =	simm.s32 $0x10800  }
0x20d: {  	[tilespmem:s26], [sflag:$0x8] =	stream.indirect_vreg.gather [hbm4b:s7+s4], $0x80, v2, vm0, $0xb8;
	[tilespmem:$0x12000] =	vst v63  }
.Ltmp19:
0x20e: {  	_ = 	snop;
	(pc) =	sbr.rel .LBB2_2-.Ltmp19, $4  }
0x20f: {  	s28 =	simm.s32 $0x11000  }
0x210: {  	[tilespmem:s28], [sflag:$0x8] =	stream.indirect_vreg.gather [hbm4b:s8+s4], $0x80, v2, vm0, $0xb8;
	[tilespmem:$0x12000] =	vst v63  }
0x211: {  	s29 =	simm.s32 $0x11800;
	s20 =	sadd.s32 $0x1, s20  }
0x212: {  	[tilespmem:s29], [sflag:$0x8] =	stream.indirect_vreg.gather [hbm4b:s9+s4], $0x80, v2, vm0, $0xb8;
	[tilespmem:$0x12000] =	vst v63  }
.LBB2_37:
0x213: {  	_ =	sfence.sel $0x180000  }
0x214: {  	[bflag:$0x0] =	sbarrier.arrive $0xFFFF  }
0x215: {  	_ =	strace $0x90000047  }
0x216: {  	s0 =	stileid.u32;
	[bflag:$0x2] =	sbarrier.arrive $0xFFFF  }
0x217: {  	p0 =	sne.s32 s0, $0x0;
	s0 =	rddreg [dreg:$0x3]  }
0x218: {  	s0 =	sadd.s32 @!p0 $0x100000, s0  }
0x219: {  	[sflag:s0] =	ssyncadd.tile.s32 @!p0 $0x1;
	_ =	shalt  }
.Lfunc_end2:
_tile_overlayer_lowered:
.L_overlay_start_2:
0x21a: {  	(tag) =	ssettag $0x2  }
0x21b: {  	s0 =	rddreg [dreg:$0x0];
	s2 =	stileid.u32  }
0x21c: {  	s1 =	rddreg [dreg:$0x1];
	p0 =	sne.s32 s2, $0x0  }
0x21d: {  	s3 =	rddreg [dreg:$0x2];
	[bflag:$0x3] =	sbarrier.arrive $0xFFFF;
	s2 =	simm.s32 @!p0 $0x1C11  }
0x21e: {  	[timem:s3], [sflag:s2] =	dma.local @!p0 [hbm:s0], s1  }
0x21f: {  	s0 =	simm.s32 @!p0 $0x11  }
0x220: {  	_ =	swait.ge @!p0 [sflag:s0], s1  }
0x221: {  	s1 =	ssub.s32 @!p0 $0x0, s1;
	[sflag:s0] =	ssyncset.done @!p0 $0x0  }
0x222: {  	[sflag:s0] =	ssyncadd.s32 @!p0 s1  }
0x223: {  	[bflag:$0x3] =	sbarrier.arrive $0xFFFF  }
0x224: {  	_ =	shalt  }

</sc_bundles>
